<compile_context>
chip_gen: v7x
topology: tpu7x:2x2x1
jax: 0.10.2.dev20260603
libtpu: 0.0.44.dev20260713+nightly
codegen_flags: <defaults>
</compile_context>

<pallas_src>
import functools

import jax
import jax.numpy as jnp
from jax import lax
from jax.experimental import pallas as pl
from jax.experimental.pallas import tpu as pltpu
from jax.experimental.pallas import tpu_sc as plsc

VOCAB = 1000000
EMBED_DIM = 128
BATCH = 4096
HIST_LEN = 200

NC = 2
NS = 16
NW = NC * NS

B = BATCH * HIST_LEN
ROWS_PER_W = B // NW
CHUNK = 128
NCH = ROWS_PER_W // CHUNK
PAIR = 2 * CHUNK
NPAIR = NCH // 2
NBUF = 3

_mesh = plsc.VectorSubcoreMesh(core_axis_name="c", subcore_axis_name="s")


@functools.partial(
    pl.kernel,
    out_type=jax.ShapeDtypeStruct((B, EMBED_DIM), jnp.float32),
    mesh=_mesh,
    scratch_types=(
        [pltpu.VMEM((NCH, CHUNK), jnp.int32)]
        + [pltpu.VMEM((PAIR, EMBED_DIM), jnp.float32)] * NBUF
        + [pltpu.SemaphoreType.DMA] * (2 * NBUF)
    ),
)
def _gather_kernel(table_hbm, idx_hbm, out_hbm, idx_v, *bufs):
    rows = list(bufs[:NBUF])
    gs = list(bufs[NBUF:2 * NBUF])
    os_ = list(bufs[2 * NBUF:])

    wid = lax.axis_index("s") * NC + lax.axis_index("c")
    base = wid * ROWS_PER_W

    def start_gathers(p, b):
        pltpu.async_copy(table_hbm.at[idx_v.at[2 * p]],
                         rows[b].at[pl.ds(0, CHUNK)], gs[b])
        pltpu.async_copy(table_hbm.at[idx_v.at[2 * p + 1]],
                         rows[b].at[pl.ds(CHUNK, CHUNK)], gs[b])

    def wait_gathers(p, b):
        pltpu.make_async_copy(table_hbm.at[idx_v.at[2 * p]],
                              rows[b].at[pl.ds(0, CHUNK)], gs[b]).wait()
        pltpu.make_async_copy(table_hbm.at[idx_v.at[2 * p + 1]],
                              rows[b].at[pl.ds(CHUNK, CHUNK)], gs[b]).wait()

    def start_out(p, b):
        pltpu.async_copy(rows[b], out_hbm.at[pl.ds(base + p * PAIR, PAIR)],
                         os_[b])

    def wait_out(p, b):
        pltpu.make_async_copy(
            rows[b], out_hbm.at[pl.ds(base + p * PAIR, PAIR)], os_[b]).wait()

    pltpu.sync_copy(idx_hbm.at[wid], idx_v)

    start_gathers(0, 0)
    start_gathers(1, 1)
    wait_gathers(0, 0)
    start_out(0, 0)
    start_gathers(2, 2)
    wait_gathers(1, 1)
    start_out(1, 1)

    @pl.loop(NBUF, NPAIR - 1, step=NBUF)
    def _(g):
        for j in range(NBUF):
            p = g + j
            wait_out(p - NBUF, j)
            start_gathers(p, j)
            wait_gathers(p - 1, (j + 2) % NBUF)
            start_out(p - 1, (j + 2) % NBUF)

    wait_out(NPAIR - 1 - NBUF, (NPAIR - 1) % NBUF)
    start_gathers(NPAIR - 1, (NPAIR - 1) % NBUF)
    wait_gathers(NPAIR - 2, (NPAIR - 2) % NBUF)
    start_out(NPAIR - 2, (NPAIR - 2) % NBUF)
    wait_gathers(NPAIR - 1, (NPAIR - 1) % NBUF)
    start_out(NPAIR - 1, (NPAIR - 1) % NBUF)
    for p in range(NPAIR - NBUF, NPAIR):
        wait_out(p, p % NBUF)


def kernel(token_seq, table):
    idx = token_seq.reshape(NW, NCH, CHUNK)
    out = _gather_kernel(table, idx)
    return out.reshape(BATCH, HIST_LEN, EMBED_DIM)

# --- scband reference (transcript-rebuilt; emitter-appended) ---
"""Pipeline reference for scband-glove-embedding-62294205662033 (READ-ONLY COPY).

The authoritative reference and input builder live on the scoring server;
editing this copy changes nothing except your own understanding.
"""

import jax, jax.numpy as jnp
import numpy as np

VOCAB = 1000000
EMBED_DIM = 128
BATCH = 4096
HIST_LEN = 200


def setup_inputs(seed: int = 0) -> dict:
    key = jax.random.key(seed)
    k1, k2 = jax.random.split(key)
    # Learned (but frozen) GloVe embedding table; padding_idx=0 row is zero.
    table = jax.random.normal(k1, (VOCAB, EMBED_DIM), dtype=jnp.float32) * 0.1
    table = table.at[0].set(0.0)
    token_seq = jax.random.randint(k2, (BATCH, HIST_LEN), 0, VOCAB, dtype=jnp.int32)
    return {"token_seq": token_seq, "table": table}


def reference(token_seq, table):
    # nn.Embedding forward: pure row gather from the table.
    return jnp.take(table, token_seq, axis=0)

if __name__ == "__main__":
    import jax
    _d = setup_inputs()
    print(jax.jit(kernel)(*tuple(_d.values())))

</pallas_src>

<mosaic_0001>
#map = affine_map<(d0, d1) -> (0, 0)>
#map1 = affine_map<(d0, d1) -> (0, 0, 0)>
module attributes {stable_mosaic.version = 14 : i64} {
  func.func @_gather_kernel(%arg0: i32, %arg1: i32, %arg2: memref<1000000x128xf32, #tpu.memory_space<hbm>>, %arg3: memref<32x200x128xi32, #tpu.memory_space<hbm>>, %arg4: memref<819200x128xf32, #tpu.memory_space<hbm>>, %arg5: memref<200x128xi32, #tpu.memory_space<vmem>>, %arg6: memref<256x128xf32, #tpu.memory_space<vmem>>, %arg7: memref<256x128xf32, #tpu.memory_space<vmem>>, %arg8: memref<256x128xf32, #tpu.memory_space<vmem>>, %arg9: memref<!tpu.dma_semaphore, #tpu.memory_space<semaphore_mem>>, %arg10: memref<!tpu.dma_semaphore, #tpu.memory_space<semaphore_mem>>, %arg11: memref<!tpu.dma_semaphore, #tpu.memory_space<semaphore_mem>>, %arg12: memref<!tpu.dma_semaphore, #tpu.memory_space<semaphore_mem>>, %arg13: memref<!tpu.dma_semaphore, #tpu.memory_space<semaphore_mem>>, %arg14: memref<!tpu.dma_semaphore, #tpu.memory_space<semaphore_mem>>) attributes {dimension_semantics = [#tpu.dimension_semantics<core_parallel>, #tpu.dimension_semantics<subcore_parallel>], iteration_bounds = array<i64: 2, 16>, scalar_prefetch = 0 : i64, scratch_operands = 10 : i64, tpu.core_type = #tpu.core_type<sc_vector_subcore>, window_params = [{transform_indices = #map}, {transform_indices = #map1}, {transform_indices = #map}]} {
    %mul3A = arith.constant 2 : i32
    %mul3A_0 = arith.muli %arg1, %mul3A : i32
    %add3A = arith.addi %mul3A_0, %arg0 : i32
    %mul3A_1 = arith.constant 25600 : i32
    %mul3A_2 = arith.muli %add3A, %mul3A_1 : i32
    "tpu.region"() ({
      %run_scoped3A = tpu.sem_alloc : memref<!tpu.dma_semaphore, #tpu.memory_space<semaphore_mem>>
      %dma_start3A_213 = arith.constant 0 : i32
      %dma_start3A_214 = arith.constant 0 : i32
      %dma_start3A_215 = tpu.memref_slice %arg3[%add3A, %dma_start3A_213, %dma_start3A_214] : memref<32x200x128xi32, #tpu.memory_space<hbm>> -> memref<1x200x128xi32, #tpu.memory_space<hbm>>
      %dma_start3A_216 = tpu.memref_squeeze %dma_start3A_215 : memref<1x200x128xi32, #tpu.memory_space<hbm>> -> memref<200x128xi32, #tpu.memory_space<hbm>>
      %dma_start3A_217 = arith.constant 0 : i32
      %dma_start3A_218 = arith.constant 0 : i32
      %dma_start3A_219 = tpu.memref_slice %arg3[%add3A, %dma_start3A_217, %dma_start3A_218] : memref<32x200x128xi32, #tpu.memory_space<hbm>> -> memref<1x200x128xi32, #tpu.memory_space<hbm>>
      %dma_start3A_220 = tpu.memref_squeeze %dma_start3A_219 : memref<1x200x128xi32, #tpu.memory_space<hbm>> -> memref<200x128xi32, #tpu.memory_space<hbm>>
      tpu.enqueue_dma source(%dma_start3A_220 : memref<200x128xi32, #tpu.memory_space<hbm>>) target(%arg5 : memref<200x128xi32, #tpu.memory_space<vmem>>) target_semaphore(%run_scoped3A : memref<!tpu.dma_semaphore, #tpu.memory_space<semaphore_mem>>)
      %dma_wait3A_221 = arith.constant 0 : i32
      %dma_wait3A_222 = arith.constant 0 : i32
      %dma_wait3A_223 = tpu.memref_slice %arg3[%add3A, %dma_wait3A_221, %dma_wait3A_222] : memref<32x200x128xi32, #tpu.memory_space<hbm>> -> memref<1x200x128xi32, #tpu.memory_space<hbm>>
      %dma_wait3A_224 = tpu.memref_squeeze %dma_wait3A_223 : memref<1x200x128xi32, #tpu.memory_space<hbm>> -> memref<200x128xi32, #tpu.memory_space<hbm>>
      %dma_wait3A_225 = arith.constant 0 : i32
      %dma_wait3A_226 = arith.constant 0 : i32
      %dma_wait3A_227 = tpu.memref_slice %arg3[%add3A, %dma_wait3A_225, %dma_wait3A_226] : memref<32x200x128xi32, #tpu.memory_space<hbm>> -> memref<1x200x128xi32, #tpu.memory_space<hbm>>
      %dma_wait3A_228 = tpu.memref_squeeze %dma_wait3A_227 : memref<1x200x128xi32, #tpu.memory_space<hbm>> -> memref<200x128xi32, #tpu.memory_space<hbm>>
      tpu.wait_dma2 semaphore(%run_scoped3A : memref<!tpu.dma_semaphore, #tpu.memory_space<semaphore_mem>>) src(%dma_wait3A_228 : memref<200x128xi32, #tpu.memory_space<hbm>>) dst(%arg5 : memref<200x128xi32, #tpu.memory_space<vmem>>)
      tpu.yield
    }) : () -> ()
    %dma_start3A = arith.constant 0 : i32
    %dma_start3A_3 = arith.constant 0 : i32
    %dma_start3A_4 = arith.constant 0 : i32
    %dma_start3A_5 = tpu.memref_slice %arg6[%dma_start3A_3, %dma_start3A_4] : memref<256x128xf32, #tpu.memory_space<vmem>> -> memref<128x128xf32, #tpu.memory_space<vmem>>
    %dma_start3A_6 = arith.constant 0 : i32
    %dma_start3A_7 = tpu.memref_slice %arg5[%dma_start3A, %dma_start3A_6] : memref<200x128xi32, #tpu.memory_space<vmem>> -> memref<1x128xi32, #tpu.memory_space<vmem>>
    %dma_start3A_8 = tpu.memref_squeeze %dma_start3A_7 : memref<1x128xi32, #tpu.memory_space<vmem>> -> memref<128xi32, #tpu.memory_space<vmem>>
    %dma_start3A_9 = arith.constant 0 : i32
    %dma_start3A_10 = arith.constant 0 : i32
    %dma_start3A_11 = tpu.memref_slice %arg2[%dma_start3A_9, %dma_start3A_10] : memref<1000000x128xf32, #tpu.memory_space<hbm>> -> memref<1000000x128xf32, #tpu.memory_space<hbm>>
    tpu.enqueue_indirect_dma source(%dma_start3A_11 : memref<1000000x128xf32, #tpu.memory_space<hbm>>) target(%dma_start3A_5 : memref<128x128xf32, #tpu.memory_space<vmem>>) offsets(%dma_start3A_8 : memref<128xi32, #tpu.memory_space<vmem>>) semaphore(%arg9 : memref<!tpu.dma_semaphore, #tpu.memory_space<semaphore_mem>>)
    %dma_start3A_12 = arith.constant 1 : i32
    %dma_start3A_13 = arith.constant 128 : i32
    %dma_start3A_14 = arith.constant 0 : i32
    %dma_start3A_15 = tpu.memref_slice %arg6[%dma_start3A_13, %dma_start3A_14] : memref<256x128xf32, #tpu.memory_space<vmem>> -> memref<128x128xf32, #tpu.memory_space<vmem>>
    %dma_start3A_16 = arith.constant 0 : i32
    %dma_start3A_17 = tpu.memref_slice %arg5[%dma_start3A_12, %dma_start3A_16] : memref<200x128xi32, #tpu.memory_space<vmem>> -> memref<1x128xi32, #tpu.memory_space<vmem>>
    %dma_start3A_18 = tpu.memref_squeeze %dma_start3A_17 : memref<1x128xi32, #tpu.memory_space<vmem>> -> memref<128xi32, #tpu.memory_space<vmem>>
    %dma_start3A_19 = arith.constant 0 : i32
    %dma_start3A_20 = arith.constant 0 : i32
    %dma_start3A_21 = tpu.memref_slice %arg2[%dma_start3A_19, %dma_start3A_20] : memref<1000000x128xf32, #tpu.memory_space<hbm>> -> memref<1000000x128xf32, #tpu.memory_space<hbm>>
    tpu.enqueue_indirect_dma source(%dma_start3A_21 : memref<1000000x128xf32, #tpu.memory_space<hbm>>) target(%dma_start3A_15 : memref<128x128xf32, #tpu.memory_space<vmem>>) offsets(%dma_start3A_18 : memref<128xi32, #tpu.memory_space<vmem>>) semaphore(%arg9 : memref<!tpu.dma_semaphore, #tpu.memory_space<semaphore_mem>>)
    %dma_start3A_22 = arith.constant 2 : i32
    %dma_start3A_23 = arith.constant 0 : i32
    %dma_start3A_24 = arith.constant 0 : i32
    %dma_start3A_25 = tpu.memref_slice %arg7[%dma_start3A_23, %dma_start3A_24] : memref<256x128xf32, #tpu.memory_space<vmem>> -> memref<128x128xf32, #tpu.memory_space<vmem>>
    %dma_start3A_26 = arith.constant 0 : i32
    %dma_start3A_27 = tpu.memref_slice %arg5[%dma_start3A_22, %dma_start3A_26] : memref<200x128xi32, #tpu.memory_space<vmem>> -> memref<1x128xi32, #tpu.memory_space<vmem>>
    %dma_start3A_28 = tpu.memref_squeeze %dma_start3A_27 : memref<1x128xi32, #tpu.memory_space<vmem>> -> memref<128xi32, #tpu.memory_space<vmem>>
    %dma_start3A_29 = arith.constant 0 : i32
    %dma_start3A_30 = arith.constant 0 : i32
    %dma_start3A_31 = tpu.memref_slice %arg2[%dma_start3A_29, %dma_start3A_30] : memref<1000000x128xf32, #tpu.memory_space<hbm>> -> memref<1000000x128xf32, #tpu.memory_space<hbm>>
    tpu.enqueue_indirect_dma source(%dma_start3A_31 : memref<1000000x128xf32, #tpu.memory_space<hbm>>) target(%dma_start3A_25 : memref<128x128xf32, #tpu.memory_space<vmem>>) offsets(%dma_start3A_28 : memref<128xi32, #tpu.memory_space<vmem>>) semaphore(%arg10 : memref<!tpu.dma_semaphore, #tpu.memory_space<semaphore_mem>>)
    %dma_start3A_32 = arith.constant 3 : i32
    %dma_start3A_33 = arith.constant 128 : i32
    %dma_start3A_34 = arith.constant 0 : i32
    %dma_start3A_35 = tpu.memref_slice %arg7[%dma_start3A_33, %dma_start3A_34] : memref<256x128xf32, #tpu.memory_space<vmem>> -> memref<128x128xf32, #tpu.memory_space<vmem>>
    %dma_start3A_36 = arith.constant 0 : i32
    %dma_start3A_37 = tpu.memref_slice %arg5[%dma_start3A_32, %dma_start3A_36] : memref<200x128xi32, #tpu.memory_space<vmem>> -> memref<1x128xi32, #tpu.memory_space<vmem>>
    %dma_start3A_38 = tpu.memref_squeeze %dma_start3A_37 : memref<1x128xi32, #tpu.memory_space<vmem>> -> memref<128xi32, #tpu.memory_space<vmem>>
    %dma_start3A_39 = arith.constant 0 : i32
    %dma_start3A_40 = arith.constant 0 : i32
    %dma_start3A_41 = tpu.memref_slice %arg2[%dma_start3A_39, %dma_start3A_40] : memref<1000000x128xf32, #tpu.memory_space<hbm>> -> memref<1000000x128xf32, #tpu.memory_space<hbm>>
    tpu.enqueue_indirect_dma source(%dma_start3A_41 : memref<1000000x128xf32, #tpu.memory_space<hbm>>) target(%dma_start3A_35 : memref<128x128xf32, #tpu.memory_space<vmem>>) offsets(%dma_start3A_38 : memref<128xi32, #tpu.memory_space<vmem>>) semaphore(%arg10 : memref<!tpu.dma_semaphore, #tpu.memory_space<semaphore_mem>>)
    %dma_wait3A = arith.constant 0 : i32
    %dma_wait3A_42 = arith.constant 0 : i32
    %dma_wait3A_43 = arith.constant 0 : i32
    %dma_wait3A_44 = tpu.memref_slice %arg6[%dma_wait3A_42, %dma_wait3A_43] : memref<256x128xf32, #tpu.memory_space<vmem>> -> memref<128x128xf32, #tpu.memory_space<vmem>>
    %dma_wait3A_45 = arith.constant 0 : i32
    %dma_wait3A_46 = tpu.memref_slice %arg5[%dma_wait3A, %dma_wait3A_45] : memref<200x128xi32, #tpu.memory_space<vmem>> -> memref<1x128xi32, #tpu.memory_space<vmem>>
    %dma_wait3A_47 = tpu.memref_squeeze %dma_wait3A_46 : memref<1x128xi32, #tpu.memory_space<vmem>> -> memref<128xi32, #tpu.memory_space<vmem>>
    %dma_wait3A_48 = arith.constant 0 : i32
    %dma_wait3A_49 = arith.constant 0 : i32
    %dma_wait3A_50 = tpu.memref_slice %arg2[%dma_wait3A_48, %dma_wait3A_49] : memref<1000000x128xf32, #tpu.memory_space<hbm>> -> memref<1000000x128xf32, #tpu.memory_space<hbm>>
    tpu.wait_indirect_dma semaphore(%arg9 : memref<!tpu.dma_semaphore, #tpu.memory_space<semaphore_mem>>) src(%dma_wait3A_50 : memref<1000000x128xf32, #tpu.memory_space<hbm>>) dst(%dma_wait3A_44 : memref<128x128xf32, #tpu.memory_space<vmem>>)
    %dma_wait3A_51 = arith.constant 1 : i32
    %dma_wait3A_52 = arith.constant 128 : i32
    %dma_wait3A_53 = arith.constant 0 : i32
    %dma_wait3A_54 = tpu.memref_slice %arg6[%dma_wait3A_52, %dma_wait3A_53] : memref<256x128xf32, #tpu.memory_space<vmem>> -> memref<128x128xf32, #tpu.memory_space<vmem>>
    %dma_wait3A_55 = arith.constant 0 : i32
    %dma_wait3A_56 = tpu.memref_slice %arg5[%dma_wait3A_51, %dma_wait3A_55] : memref<200x128xi32, #tpu.memory_space<vmem>> -> memref<1x128xi32, #tpu.memory_space<vmem>>
    %dma_wait3A_57 = tpu.memref_squeeze %dma_wait3A_56 : memref<1x128xi32, #tpu.memory_space<vmem>> -> memref<128xi32, #tpu.memory_space<vmem>>
    %dma_wait3A_58 = arith.constant 0 : i32
    %dma_wait3A_59 = arith.constant 0 : i32
    %dma_wait3A_60 = tpu.memref_slice %arg2[%dma_wait3A_58, %dma_wait3A_59] : memref<1000000x128xf32, #tpu.memory_space<hbm>> -> memref<1000000x128xf32, #tpu.memory_space<hbm>>
    tpu.wait_indirect_dma semaphore(%arg9 : memref<!tpu.dma_semaphore, #tpu.memory_space<semaphore_mem>>) src(%dma_wait3A_60 : memref<1000000x128xf32, #tpu.memory_space<hbm>>) dst(%dma_wait3A_54 : memref<128x128xf32, #tpu.memory_space<vmem>>)
    %add3A_61 = arith.constant 0 : i32
    %add3A_62 = arith.addi %mul3A_2, %add3A_61 : i32
    %dma_start3A_63 = arith.constant 0 : i32
    %dma_start3A_64 = tpu.memref_slice %arg4[%add3A_62, %dma_start3A_63] : memref<819200x128xf32, #tpu.memory_space<hbm>> -> memref<256x128xf32, #tpu.memory_space<hbm>>
    %dma_start3A_65 = arith.constant 0 : i32
    %dma_start3A_66 = tpu.memref_slice %arg4[%add3A_62, %dma_start3A_65] : memref<819200x128xf32, #tpu.memory_space<hbm>> -> memref<256x128xf32, #tpu.memory_space<hbm>>
    tpu.enqueue_dma source(%arg6 : memref<256x128xf32, #tpu.memory_space<vmem>>) target(%dma_start3A_66 : memref<256x128xf32, #tpu.memory_space<hbm>>) target_semaphore(%arg12 : memref<!tpu.dma_semaphore, #tpu.memory_space<semaphore_mem>>)
    %dma_start3A_67 = arith.constant 4 : i32
    %dma_start3A_68 = arith.constant 0 : i32
    %dma_start3A_69 = arith.constant 0 : i32
    %dma_start3A_70 = tpu.memref_slice %arg8[%dma_start3A_68, %dma_start3A_69] : memref<256x128xf32, #tpu.memory_space<vmem>> -> memref<128x128xf32, #tpu.memory_space<vmem>>
    %dma_start3A_71 = arith.constant 0 : i32
    %dma_start3A_72 = tpu.memref_slice %arg5[%dma_start3A_67, %dma_start3A_71] : memref<200x128xi32, #tpu.memory_space<vmem>> -> memref<1x128xi32, #tpu.memory_space<vmem>>
    %dma_start3A_73 = tpu.memref_squeeze %dma_start3A_72 : memref<1x128xi32, #tpu.memory_space<vmem>> -> memref<128xi32, #tpu.memory_space<vmem>>
    %dma_start3A_74 = arith.constant 0 : i32
    %dma_start3A_75 = arith.constant 0 : i32
    %dma_start3A_76 = tpu.memref_slice %arg2[%dma_start3A_74, %dma_start3A_75] : memref<1000000x128xf32, #tpu.memory_space<hbm>> -> memref<1000000x128xf32, #tpu.memory_space<hbm>>
    tpu.enqueue_indirect_dma source(%dma_start3A_76 : memref<1000000x128xf32, #tpu.memory_space<hbm>>) target(%dma_start3A_70 : memref<128x128xf32, #tpu.memory_space<vmem>>) offsets(%dma_start3A_73 : memref<128xi32, #tpu.memory_space<vmem>>) semaphore(%arg11 : memref<!tpu.dma_semaphore, #tpu.memory_space<semaphore_mem>>)
    %dma_start3A_77 = arith.constant 5 : i32
    %dma_start3A_78 = arith.constant 128 : i32
    %dma_start3A_79 = arith.constant 0 : i32
    %dma_start3A_80 = tpu.memref_slice %arg8[%dma_start3A_78, %dma_start3A_79] : memref<256x128xf32, #tpu.memory_space<vmem>> -> memref<128x128xf32, #tpu.memory_space<vmem>>
    %dma_start3A_81 = arith.constant 0 : i32
    %dma_start3A_82 = tpu.memref_slice %arg5[%dma_start3A_77, %dma_start3A_81] : memref<200x128xi32, #tpu.memory_space<vmem>> -> memref<1x128xi32, #tpu.memory_space<vmem>>
    %dma_start3A_83 = tpu.memref_squeeze %dma_start3A_82 : memref<1x128xi32, #tpu.memory_space<vmem>> -> memref<128xi32, #tpu.memory_space<vmem>>
    %dma_start3A_84 = arith.constant 0 : i32
    %dma_start3A_85 = arith.constant 0 : i32
    %dma_start3A_86 = tpu.memref_slice %arg2[%dma_start3A_84, %dma_start3A_85] : memref<1000000x128xf32, #tpu.memory_space<hbm>> -> memref<1000000x128xf32, #tpu.memory_space<hbm>>
    tpu.enqueue_indirect_dma source(%dma_start3A_86 : memref<1000000x128xf32, #tpu.memory_space<hbm>>) target(%dma_start3A_80 : memref<128x128xf32, #tpu.memory_space<vmem>>) offsets(%dma_start3A_83 : memref<128xi32, #tpu.memory_space<vmem>>) semaphore(%arg11 : memref<!tpu.dma_semaphore, #tpu.memory_space<semaphore_mem>>)
    %dma_wait3A_87 = arith.constant 2 : i32
    %dma_wait3A_88 = arith.constant 0 : i32
    %dma_wait3A_89 = arith.constant 0 : i32
    %dma_wait3A_90 = tpu.memref_slice %arg7[%dma_wait3A_88, %dma_wait3A_89] : memref<256x128xf32, #tpu.memory_space<vmem>> -> memref<128x128xf32, #tpu.memory_space<vmem>>
    %dma_wait3A_91 = arith.constant 0 : i32
    %dma_wait3A_92 = tpu.memref_slice %arg5[%dma_wait3A_87, %dma_wait3A_91] : memref<200x128xi32, #tpu.memory_space<vmem>> -> memref<1x128xi32, #tpu.memory_space<vmem>>
    %dma_wait3A_93 = tpu.memref_squeeze %dma_wait3A_92 : memref<1x128xi32, #tpu.memory_space<vmem>> -> memref<128xi32, #tpu.memory_space<vmem>>
    %dma_wait3A_94 = arith.constant 0 : i32
    %dma_wait3A_95 = arith.constant 0 : i32
    %dma_wait3A_96 = tpu.memref_slice %arg2[%dma_wait3A_94, %dma_wait3A_95] : memref<1000000x128xf32, #tpu.memory_space<hbm>> -> memref<1000000x128xf32, #tpu.memory_space<hbm>>
    tpu.wait_indirect_dma semaphore(%arg10 : memref<!tpu.dma_semaphore, #tpu.memory_space<semaphore_mem>>) src(%dma_wait3A_96 : memref<1000000x128xf32, #tpu.memory_space<hbm>>) dst(%dma_wait3A_90 : memref<128x128xf32, #tpu.memory_space<vmem>>)
    %dma_wait3A_97 = arith.constant 3 : i32
    %dma_wait3A_98 = arith.constant 128 : i32
    %dma_wait3A_99 = arith.constant 0 : i32
    %dma_wait3A_100 = tpu.memref_slice %arg7[%dma_wait3A_98, %dma_wait3A_99] : memref<256x128xf32, #tpu.memory_space<vmem>> -> memref<128x128xf32, #tpu.memory_space<vmem>>
    %dma_wait3A_101 = arith.constant 0 : i32
    %dma_wait3A_102 = tpu.memref_slice %arg5[%dma_wait3A_97, %dma_wait3A_101] : memref<200x128xi32, #tpu.memory_space<vmem>> -> memref<1x128xi32, #tpu.memory_space<vmem>>
    %dma_wait3A_103 = tpu.memref_squeeze %dma_wait3A_102 : memref<1x128xi32, #tpu.memory_space<vmem>> -> memref<128xi32, #tpu.memory_space<vmem>>
    %dma_wait3A_104 = arith.constant 0 : i32
    %dma_wait3A_105 = arith.constant 0 : i32
    %dma_wait3A_106 = tpu.memref_slice %arg2[%dma_wait3A_104, %dma_wait3A_105] : memref<1000000x128xf32, #tpu.memory_space<hbm>> -> memref<1000000x128xf32, #tpu.memory_space<hbm>>
    tpu.wait_indirect_dma semaphore(%arg10 : memref<!tpu.dma_semaphore, #tpu.memory_space<semaphore_mem>>) src(%dma_wait3A_106 : memref<1000000x128xf32, #tpu.memory_space<hbm>>) dst(%dma_wait3A_100 : memref<128x128xf32, #tpu.memory_space<vmem>>)
    %add3A_107 = arith.constant 256 : i32
    %add3A_108 = arith.addi %mul3A_2, %add3A_107 : i32
    %dma_start3A_109 = arith.constant 0 : i32
    %dma_start3A_110 = tpu.memref_slice %arg4[%add3A_108, %dma_start3A_109] : memref<819200x128xf32, #tpu.memory_space<hbm>> -> memref<256x128xf32, #tpu.memory_space<hbm>>
    %dma_start3A_111 = arith.constant 0 : i32
    %dma_start3A_112 = tpu.memref_slice %arg4[%add3A_108, %dma_start3A_111] : memref<819200x128xf32, #tpu.memory_space<hbm>> -> memref<256x128xf32, #tpu.memory_space<hbm>>
    tpu.enqueue_dma source(%arg7 : memref<256x128xf32, #tpu.memory_space<vmem>>) target(%dma_start3A_112 : memref<256x128xf32, #tpu.memory_space<hbm>>) target_semaphore(%arg13 : memref<!tpu.dma_semaphore, #tpu.memory_space<semaphore_mem>>)
    %scan3A = arith.constant 0 : i32
    %scan3A_113 = arith.constant 32 : i32
    %scan3A_114 = arith.addi %scan3A, %scan3A_113 : i32
    %scan3A_115 = arith.constant 1 : i32
    scf.for %scan3A_213 = %scan3A to %scan3A_114 step %scan3A_115  : i32 {
      %mul3A_214 = arith.constant 3 : i32
      %mul3A_215 = arith.muli %scan3A_213, %mul3A_214 : i32
      %add3A_216 = arith.constant 3 : i32
      %add3A_217 = arith.addi %add3A_216, %mul3A_215 : i32
      %add3A_218 = arith.constant 0 : i32
      %add3A_219 = arith.addi %add3A_217, %add3A_218 : i32
      %sub3A = arith.constant 3 : i32
      %sub3A_220 = arith.subi %add3A_219, %sub3A : i32
      %mul3A_221 = arith.constant 256 : i32
      %mul3A_222 = arith.muli %sub3A_220, %mul3A_221 : i32
      %add3A_223 = arith.addi %mul3A_2, %mul3A_222 : i32
      %dma_wait3A_224 = arith.constant 0 : i32
      %dma_wait3A_225 = tpu.memref_slice %arg4[%add3A_223, %dma_wait3A_224] : memref<819200x128xf32, #tpu.memory_space<hbm>> -> memref<256x128xf32, #tpu.memory_space<hbm>>
      %dma_wait3A_226 = arith.constant 0 : i32
      %dma_wait3A_227 = tpu.memref_slice %arg4[%add3A_223, %dma_wait3A_226] : memref<819200x128xf32, #tpu.memory_space<hbm>> -> memref<256x128xf32, #tpu.memory_space<hbm>>
      tpu.wait_dma2 semaphore(%arg12 : memref<!tpu.dma_semaphore, #tpu.memory_space<semaphore_mem>>) src(%arg6 : memref<256x128xf32, #tpu.memory_space<vmem>>) dst(%dma_wait3A_227 : memref<256x128xf32, #tpu.memory_space<hbm>>)
      %mul3A_228 = arith.constant 2 : i32
      %mul3A_229 = arith.muli %mul3A_228, %add3A_219 : i32
      %dma_start3A_230 = arith.constant 0 : i32
      %dma_start3A_231 = arith.constant 0 : i32
      %dma_start3A_232 = tpu.memref_slice %arg6[%dma_start3A_230, %dma_start3A_231] : memref<256x128xf32, #tpu.memory_space<vmem>> -> memref<128x128xf32, #tpu.memory_space<vmem>>
      %dma_start3A_233 = arith.constant 0 : i32
      %dma_start3A_234 = tpu.memref_slice %arg5[%mul3A_229, %dma_start3A_233] : memref<200x128xi32, #tpu.memory_space<vmem>> -> memref<1x128xi32, #tpu.memory_space<vmem>>
      %dma_start3A_235 = tpu.memref_squeeze %dma_start3A_234 : memref<1x128xi32, #tpu.memory_space<vmem>> -> memref<128xi32, #tpu.memory_space<vmem>>
      %dma_start3A_236 = arith.constant 0 : i32
      %dma_start3A_237 = arith.constant 0 : i32
      %dma_start3A_238 = tpu.memref_slice %arg2[%dma_start3A_236, %dma_start3A_237] : memref<1000000x128xf32, #tpu.memory_space<hbm>> -> memref<1000000x128xf32, #tpu.memory_space<hbm>>
      tpu.enqueue_indirect_dma source(%dma_start3A_238 : memref<1000000x128xf32, #tpu.memory_space<hbm>>) target(%dma_start3A_232 : memref<128x128xf32, #tpu.memory_space<vmem>>) offsets(%dma_start3A_235 : memref<128xi32, #tpu.memory_space<vmem>>) semaphore(%arg9 : memref<!tpu.dma_semaphore, #tpu.memory_space<semaphore_mem>>)
      %mul3A_239 = arith.constant 2 : i32
      %mul3A_240 = arith.muli %mul3A_239, %add3A_219 : i32
      %add3A_241 = arith.constant 1 : i32
      %add3A_242 = arith.addi %mul3A_240, %add3A_241 : i32
      %dma_start3A_243 = arith.constant 128 : i32
      %dma_start3A_244 = arith.constant 0 : i32
      %dma_start3A_245 = tpu.memref_slice %arg6[%dma_start3A_243, %dma_start3A_244] : memref<256x128xf32, #tpu.memory_space<vmem>> -> memref<128x128xf32, #tpu.memory_space<vmem>>
      %dma_start3A_246 = arith.constant 0 : i32
      %dma_start3A_247 = tpu.memref_slice %arg5[%add3A_242, %dma_start3A_246] : memref<200x128xi32, #tpu.memory_space<vmem>> -> memref<1x128xi32, #tpu.memory_space<vmem>>
      %dma_start3A_248 = tpu.memref_squeeze %dma_start3A_247 : memref<1x128xi32, #tpu.memory_space<vmem>> -> memref<128xi32, #tpu.memory_space<vmem>>
      %dma_start3A_249 = arith.constant 0 : i32
      %dma_start3A_250 = arith.constant 0 : i32
      %dma_start3A_251 = tpu.memref_slice %arg2[%dma_start3A_249, %dma_start3A_250] : memref<1000000x128xf32, #tpu.memory_space<hbm>> -> memref<1000000x128xf32, #tpu.memory_space<hbm>>
      tpu.enqueue_indirect_dma source(%dma_start3A_251 : memref<1000000x128xf32, #tpu.memory_space<hbm>>) target(%dma_start3A_245 : memref<128x128xf32, #tpu.memory_space<vmem>>) offsets(%dma_start3A_248 : memref<128xi32, #tpu.memory_space<vmem>>) semaphore(%arg9 : memref<!tpu.dma_semaphore, #tpu.memory_space<semaphore_mem>>)
      %sub3A_252 = arith.constant 1 : i32
      %sub3A_253 = arith.subi %add3A_219, %sub3A_252 : i32
      %mul3A_254 = arith.constant 2 : i32
      %mul3A_255 = arith.muli %mul3A_254, %sub3A_253 : i32
      %dma_wait3A_256 = arith.constant 0 : i32
      %dma_wait3A_257 = arith.constant 0 : i32
      %dma_wait3A_258 = tpu.memref_slice %arg8[%dma_wait3A_256, %dma_wait3A_257] : memref<256x128xf32, #tpu.memory_space<vmem>> -> memref<128x128xf32, #tpu.memory_space<vmem>>
      %dma_wait3A_259 = arith.constant 0 : i32
      %dma_wait3A_260 = tpu.memref_slice %arg5[%mul3A_255, %dma_wait3A_259] : memref<200x128xi32, #tpu.memory_space<vmem>> -> memref<1x128xi32, #tpu.memory_space<vmem>>
      %dma_wait3A_261 = tpu.memref_squeeze %dma_wait3A_260 : memref<1x128xi32, #tpu.memory_space<vmem>> -> memref<128xi32, #tpu.memory_space<vmem>>
      %dma_wait3A_262 = arith.constant 0 : i32
      %dma_wait3A_263 = arith.constant 0 : i32
      %dma_wait3A_264 = tpu.memref_slice %arg2[%dma_wait3A_262, %dma_wait3A_263] : memref<1000000x128xf32, #tpu.memory_space<hbm>> -> memref<1000000x128xf32, #tpu.memory_space<hbm>>
      tpu.wait_indirect_dma semaphore(%arg11 : memref<!tpu.dma_semaphore, #tpu.memory_space<semaphore_mem>>) src(%dma_wait3A_264 : memref<1000000x128xf32, #tpu.memory_space<hbm>>) dst(%dma_wait3A_258 : memref<128x128xf32, #tpu.memory_space<vmem>>)
      %mul3A_265 = arith.constant 2 : i32
      %mul3A_266 = arith.muli %mul3A_265, %sub3A_253 : i32
      %add3A_267 = arith.constant 1 : i32
      %add3A_268 = arith.addi %mul3A_266, %add3A_267 : i32
      %dma_wait3A_269 = arith.constant 128 : i32
      %dma_wait3A_270 = arith.constant 0 : i32
      %dma_wait3A_271 = tpu.memref_slice %arg8[%dma_wait3A_269, %dma_wait3A_270] : memref<256x128xf32, #tpu.memory_space<vmem>> -> memref<128x128xf32, #tpu.memory_space<vmem>>
      %dma_wait3A_272 = arith.constant 0 : i32
      %dma_wait3A_273 = tpu.memref_slice %arg5[%add3A_268, %dma_wait3A_272] : memref<200x128xi32, #tpu.memory_space<vmem>> -> memref<1x128xi32, #tpu.memory_space<vmem>>
      %dma_wait3A_274 = tpu.memref_squeeze %dma_wait3A_273 : memref<1x128xi32, #tpu.memory_space<vmem>> -> memref<128xi32, #tpu.memory_space<vmem>>
      %dma_wait3A_275 = arith.constant 0 : i32
      %dma_wait3A_276 = arith.constant 0 : i32
      %dma_wait3A_277 = tpu.memref_slice %arg2[%dma_wait3A_275, %dma_wait3A_276] : memref<1000000x128xf32, #tpu.memory_space<hbm>> -> memref<1000000x128xf32, #tpu.memory_space<hbm>>
      tpu.wait_indirect_dma semaphore(%arg11 : memref<!tpu.dma_semaphore, #tpu.memory_space<semaphore_mem>>) src(%dma_wait3A_277 : memref<1000000x128xf32, #tpu.memory_space<hbm>>) dst(%dma_wait3A_271 : memref<128x128xf32, #tpu.memory_space<vmem>>)
      %sub3A_278 = arith.constant 1 : i32
      %sub3A_279 = arith.subi %add3A_219, %sub3A_278 : i32
      %mul3A_280 = arith.constant 256 : i32
      %mul3A_281 = arith.muli %sub3A_279, %mul3A_280 : i32
      %add3A_282 = arith.addi %mul3A_2, %mul3A_281 : i32
      %dma_start3A_283 = arith.constant 0 : i32
      %dma_start3A_284 = tpu.memref_slice %arg4[%add3A_282, %dma_start3A_283] : memref<819200x128xf32, #tpu.memory_space<hbm>> -> memref<256x128xf32, #tpu.memory_space<hbm>>
      %dma_start3A_285 = arith.constant 0 : i32
      %dma_start3A_286 = tpu.memref_slice %arg4[%add3A_282, %dma_start3A_285] : memref<819200x128xf32, #tpu.memory_space<hbm>> -> memref<256x128xf32, #tpu.memory_space<hbm>>
      tpu.enqueue_dma source(%arg8 : memref<256x128xf32, #tpu.memory_space<vmem>>) target(%dma_start3A_286 : memref<256x128xf32, #tpu.memory_space<hbm>>) target_semaphore(%arg14 : memref<!tpu.dma_semaphore, #tpu.memory_space<semaphore_mem>>)
      %add3A_287 = arith.constant 1 : i32
      %add3A_288 = arith.addi %add3A_217, %add3A_287 : i32
      %sub3A_289 = arith.constant 3 : i32
      %sub3A_290 = arith.subi %add3A_288, %sub3A_289 : i32
      %mul3A_291 = arith.constant 256 : i32
      %mul3A_292 = arith.muli %sub3A_290, %mul3A_291 : i32
      %add3A_293 = arith.addi %mul3A_2, %mul3A_292 : i32
      %dma_wait3A_294 = arith.constant 0 : i32
      %dma_wait3A_295 = tpu.memref_slice %arg4[%add3A_293, %dma_wait3A_294] : memref<819200x128xf32, #tpu.memory_space<hbm>> -> memref<256x128xf32, #tpu.memory_space<hbm>>
      %dma_wait3A_296 = arith.constant 0 : i32
      %dma_wait3A_297 = tpu.memref_slice %arg4[%add3A_293, %dma_wait3A_296] : memref<819200x128xf32, #tpu.memory_space<hbm>> -> memref<256x128xf32, #tpu.memory_space<hbm>>
      tpu.wait_dma2 semaphore(%arg13 : memref<!tpu.dma_semaphore, #tpu.memory_space<semaphore_mem>>) src(%arg7 : memref<256x128xf32, #tpu.memory_space<vmem>>) dst(%dma_wait3A_297 : memref<256x128xf32, #tpu.memory_space<hbm>>)
      %mul3A_298 = arith.constant 2 : i32
      %mul3A_299 = arith.muli %mul3A_298, %add3A_288 : i32
      %dma_start3A_300 = arith.constant 0 : i32
      %dma_start3A_301 = arith.constant 0 : i32
      %dma_start3A_302 = tpu.memref_slice %arg7[%dma_start3A_300, %dma_start3A_301] : memref<256x128xf32, #tpu.memory_space<vmem>> -> memref<128x128xf32, #tpu.memory_space<vmem>>
      %dma_start3A_303 = arith.constant 0 : i32
      %dma_start3A_304 = tpu.memref_slice %arg5[%mul3A_299, %dma_start3A_303] : memref<200x128xi32, #tpu.memory_space<vmem>> -> memref<1x128xi32, #tpu.memory_space<vmem>>
      %dma_start3A_305 = tpu.memref_squeeze %dma_start3A_304 : memref<1x128xi32, #tpu.memory_space<vmem>> -> memref<128xi32, #tpu.memory_space<vmem>>
      %dma_start3A_306 = arith.constant 0 : i32
      %dma_start3A_307 = arith.constant 0 : i32
      %dma_start3A_308 = tpu.memref_slice %arg2[%dma_start3A_306, %dma_start3A_307] : memref<1000000x128xf32, #tpu.memory_space<hbm>> -> memref<1000000x128xf32, #tpu.memory_space<hbm>>
      tpu.enqueue_indirect_dma source(%dma_start3A_308 : memref<1000000x128xf32, #tpu.memory_space<hbm>>) target(%dma_start3A_302 : memref<128x128xf32, #tpu.memory_space<vmem>>) offsets(%dma_start3A_305 : memref<128xi32, #tpu.memory_space<vmem>>) semaphore(%arg10 : memref<!tpu.dma_semaphore, #tpu.memory_space<semaphore_mem>>)
      %mul3A_309 = arith.constant 2 : i32
      %mul3A_310 = arith.muli %mul3A_309, %add3A_288 : i32
      %add3A_311 = arith.constant 1 : i32
      %add3A_312 = arith.addi %mul3A_310, %add3A_311 : i32
      %dma_start3A_313 = arith.constant 128 : i32
      %dma_start3A_314 = arith.constant 0 : i32
      %dma_start3A_315 = tpu.memref_slice %arg7[%dma_start3A_313, %dma_start3A_314] : memref<256x128xf32, #tpu.memory_space<vmem>> -> memref<128x128xf32, #tpu.memory_space<vmem>>
      %dma_start3A_316 = arith.constant 0 : i32
      %dma_start3A_317 = tpu.memref_slice %arg5[%add3A_312, %dma_start3A_316] : memref<200x128xi32, #tpu.memory_space<vmem>> -> memref<1x128xi32, #tpu.memory_space<vmem>>
      %dma_start3A_318 = tpu.memref_squeeze %dma_start3A_317 : memref<1x128xi32, #tpu.memory_space<vmem>> -> memref<128xi32, #tpu.memory_space<vmem>>
      %dma_start3A_319 = arith.constant 0 : i32
      %dma_start3A_320 = arith.constant 0 : i32
      %dma_start3A_321 = tpu.memref_slice %arg2[%dma_start3A_319, %dma_start3A_320] : memref<1000000x128xf32, #tpu.memory_space<hbm>> -> memref<1000000x128xf32, #tpu.memory_space<hbm>>
      tpu.enqueue_indirect_dma source(%dma_start3A_321 : memref<1000000x128xf32, #tpu.memory_space<hbm>>) target(%dma_start3A_315 : memref<128x128xf32, #tpu.memory_space<vmem>>) offsets(%dma_start3A_318 : memref<128xi32, #tpu.memory_space<vmem>>) semaphore(%arg10 : memref<!tpu.dma_semaphore, #tpu.memory_space<semaphore_mem>>)
      %sub3A_322 = arith.constant 1 : i32
      %sub3A_323 = arith.subi %add3A_288, %sub3A_322 : i32
      %mul3A_324 = arith.constant 2 : i32
      %mul3A_325 = arith.muli %mul3A_324, %sub3A_323 : i32
      %dma_wait3A_326 = arith.constant 0 : i32
      %dma_wait3A_327 = arith.constant 0 : i32
      %dma_wait3A_328 = tpu.memref_slice %arg6[%dma_wait3A_326, %dma_wait3A_327] : memref<256x128xf32, #tpu.memory_space<vmem>> -> memref<128x128xf32, #tpu.memory_space<vmem>>
      %dma_wait3A_329 = arith.constant 0 : i32
      %dma_wait3A_330 = tpu.memref_slice %arg5[%mul3A_325, %dma_wait3A_329] : memref<200x128xi32, #tpu.memory_space<vmem>> -> memref<1x128xi32, #tpu.memory_space<vmem>>
      %dma_wait3A_331 = tpu.memref_squeeze %dma_wait3A_330 : memref<1x128xi32, #tpu.memory_space<vmem>> -> memref<128xi32, #tpu.memory_space<vmem>>
      %dma_wait3A_332 = arith.constant 0 : i32
      %dma_wait3A_333 = arith.constant 0 : i32
      %dma_wait3A_334 = tpu.memref_slice %arg2[%dma_wait3A_332, %dma_wait3A_333] : memref<1000000x128xf32, #tpu.memory_space<hbm>> -> memref<1000000x128xf32, #tpu.memory_space<hbm>>
      tpu.wait_indirect_dma semaphore(%arg9 : memref<!tpu.dma_semaphore, #tpu.memory_space<semaphore_mem>>) src(%dma_wait3A_334 : memref<1000000x128xf32, #tpu.memory_space<hbm>>) dst(%dma_wait3A_328 : memref<128x128xf32, #tpu.memory_space<vmem>>)
      %mul3A_335 = arith.constant 2 : i32
      %mul3A_336 = arith.muli %mul3A_335, %sub3A_323 : i32
      %add3A_337 = arith.constant 1 : i32
      %add3A_338 = arith.addi %mul3A_336, %add3A_337 : i32
      %dma_wait3A_339 = arith.constant 128 : i32
      %dma_wait3A_340 = arith.constant 0 : i32
      %dma_wait3A_341 = tpu.memref_slice %arg6[%dma_wait3A_339, %dma_wait3A_340] : memref<256x128xf32, #tpu.memory_space<vmem>> -> memref<128x128xf32, #tpu.memory_space<vmem>>
      %dma_wait3A_342 = arith.constant 0 : i32
      %dma_wait3A_343 = tpu.memref_slice %arg5[%add3A_338, %dma_wait3A_342] : memref<200x128xi32, #tpu.memory_space<vmem>> -> memref<1x128xi32, #tpu.memory_space<vmem>>
      %dma_wait3A_344 = tpu.memref_squeeze %dma_wait3A_343 : memref<1x128xi32, #tpu.memory_space<vmem>> -> memref<128xi32, #tpu.memory_space<vmem>>
      %dma_wait3A_345 = arith.constant 0 : i32
      %dma_wait3A_346 = arith.constant 0 : i32
      %dma_wait3A_347 = tpu.memref_slice %arg2[%dma_wait3A_345, %dma_wait3A_346] : memref<1000000x128xf32, #tpu.memory_space<hbm>> -> memref<1000000x128xf32, #tpu.memory_space<hbm>>
      tpu.wait_indirect_dma semaphore(%arg9 : memref<!tpu.dma_semaphore, #tpu.memory_space<semaphore_mem>>) src(%dma_wait3A_347 : memref<1000000x128xf32, #tpu.memory_space<hbm>>) dst(%dma_wait3A_341 : memref<128x128xf32, #tpu.memory_space<vmem>>)
      %sub3A_348 = arith.constant 1 : i32
      %sub3A_349 = arith.subi %add3A_288, %sub3A_348 : i32
      %mul3A_350 = arith.constant 256 : i32
      %mul3A_351 = arith.muli %sub3A_349, %mul3A_350 : i32
      %add3A_352 = arith.addi %mul3A_2, %mul3A_351 : i32
      %dma_start3A_353 = arith.constant 0 : i32
      %dma_start3A_354 = tpu.memref_slice %arg4[%add3A_352, %dma_start3A_353] : memref<819200x128xf32, #tpu.memory_space<hbm>> -> memref<256x128xf32, #tpu.memory_space<hbm>>
      %dma_start3A_355 = arith.constant 0 : i32
      %dma_start3A_356 = tpu.memref_slice %arg4[%add3A_352, %dma_start3A_355] : memref<819200x128xf32, #tpu.memory_space<hbm>> -> memref<256x128xf32, #tpu.memory_space<hbm>>
      tpu.enqueue_dma source(%arg6 : memref<256x128xf32, #tpu.memory_space<vmem>>) target(%dma_start3A_356 : memref<256x128xf32, #tpu.memory_space<hbm>>) target_semaphore(%arg12 : memref<!tpu.dma_semaphore, #tpu.memory_space<semaphore_mem>>)
      %add3A_357 = arith.constant 2 : i32
      %add3A_358 = arith.addi %add3A_217, %add3A_357 : i32
      %sub3A_359 = arith.constant 3 : i32
      %sub3A_360 = arith.subi %add3A_358, %sub3A_359 : i32
      %mul3A_361 = arith.constant 256 : i32
      %mul3A_362 = arith.muli %sub3A_360, %mul3A_361 : i32
      %add3A_363 = arith.addi %mul3A_2, %mul3A_362 : i32
      %dma_wait3A_364 = arith.constant 0 : i32
      %dma_wait3A_365 = tpu.memref_slice %arg4[%add3A_363, %dma_wait3A_364] : memref<819200x128xf32, #tpu.memory_space<hbm>> -> memref<256x128xf32, #tpu.memory_space<hbm>>
      %dma_wait3A_366 = arith.constant 0 : i32
      %dma_wait3A_367 = tpu.memref_slice %arg4[%add3A_363, %dma_wait3A_366] : memref<819200x128xf32, #tpu.memory_space<hbm>> -> memref<256x128xf32, #tpu.memory_space<hbm>>
      tpu.wait_dma2 semaphore(%arg14 : memref<!tpu.dma_semaphore, #tpu.memory_space<semaphore_mem>>) src(%arg8 : memref<256x128xf32, #tpu.memory_space<vmem>>) dst(%dma_wait3A_367 : memref<256x128xf32, #tpu.memory_space<hbm>>)
      %mul3A_368 = arith.constant 2 : i32
      %mul3A_369 = arith.muli %mul3A_368, %add3A_358 : i32
      %dma_start3A_370 = arith.constant 0 : i32
      %dma_start3A_371 = arith.constant 0 : i32
      %dma_start3A_372 = tpu.memref_slice %arg8[%dma_start3A_370, %dma_start3A_371] : memref<256x128xf32, #tpu.memory_space<vmem>> -> memref<128x128xf32, #tpu.memory_space<vmem>>
      %dma_start3A_373 = arith.constant 0 : i32
      %dma_start3A_374 = tpu.memref_slice %arg5[%mul3A_369, %dma_start3A_373] : memref<200x128xi32, #tpu.memory_space<vmem>> -> memref<1x128xi32, #tpu.memory_space<vmem>>
      %dma_start3A_375 = tpu.memref_squeeze %dma_start3A_374 : memref<1x128xi32, #tpu.memory_space<vmem>> -> memref<128xi32, #tpu.memory_space<vmem>>
      %dma_start3A_376 = arith.constant 0 : i32
      %dma_start3A_377 = arith.constant 0 : i32
      %dma_start3A_378 = tpu.memref_slice %arg2[%dma_start3A_376, %dma_start3A_377] : memref<1000000x128xf32, #tpu.memory_space<hbm>> -> memref<1000000x128xf32, #tpu.memory_space<hbm>>
      tpu.enqueue_indirect_dma source(%dma_start3A_378 : memref<1000000x128xf32, #tpu.memory_space<hbm>>) target(%dma_start3A_372 : memref<128x128xf32, #tpu.memory_space<vmem>>) offsets(%dma_start3A_375 : memref<128xi32, #tpu.memory_space<vmem>>) semaphore(%arg11 : memref<!tpu.dma_semaphore, #tpu.memory_space<semaphore_mem>>)
      %mul3A_379 = arith.constant 2 : i32
      %mul3A_380 = arith.muli %mul3A_379, %add3A_358 : i32
      %add3A_381 = arith.constant 1 : i32
      %add3A_382 = arith.addi %mul3A_380, %add3A_381 : i32
      %dma_start3A_383 = arith.constant 128 : i32
      %dma_start3A_384 = arith.constant 0 : i32
      %dma_start3A_385 = tpu.memref_slice %arg8[%dma_start3A_383, %dma_start3A_384] : memref<256x128xf32, #tpu.memory_space<vmem>> -> memref<128x128xf32, #tpu.memory_space<vmem>>
      %dma_start3A_386 = arith.constant 0 : i32
      %dma_start3A_387 = tpu.memref_slice %arg5[%add3A_382, %dma_start3A_386] : memref<200x128xi32, #tpu.memory_space<vmem>> -> memref<1x128xi32, #tpu.memory_space<vmem>>
      %dma_start3A_388 = tpu.memref_squeeze %dma_start3A_387 : memref<1x128xi32, #tpu.memory_space<vmem>> -> memref<128xi32, #tpu.memory_space<vmem>>
      %dma_start3A_389 = arith.constant 0 : i32
      %dma_start3A_390 = arith.constant 0 : i32
      %dma_start3A_391 = tpu.memref_slice %arg2[%dma_start3A_389, %dma_start3A_390] : memref<1000000x128xf32, #tpu.memory_space<hbm>> -> memref<1000000x128xf32, #tpu.memory_space<hbm>>
      tpu.enqueue_indirect_dma source(%dma_start3A_391 : memref<1000000x128xf32, #tpu.memory_space<hbm>>) target(%dma_start3A_385 : memref<128x128xf32, #tpu.memory_space<vmem>>) offsets(%dma_start3A_388 : memref<128xi32, #tpu.memory_space<vmem>>) semaphore(%arg11 : memref<!tpu.dma_semaphore, #tpu.memory_space<semaphore_mem>>)
      %sub3A_392 = arith.constant 1 : i32
      %sub3A_393 = arith.subi %add3A_358, %sub3A_392 : i32
      %mul3A_394 = arith.constant 2 : i32
      %mul3A_395 = arith.muli %mul3A_394, %sub3A_393 : i32
      %dma_wait3A_396 = arith.constant 0 : i32
      %dma_wait3A_397 = arith.constant 0 : i32
      %dma_wait3A_398 = tpu.memref_slice %arg7[%dma_wait3A_396, %dma_wait3A_397] : memref<256x128xf32, #tpu.memory_space<vmem>> -> memref<128x128xf32, #tpu.memory_space<vmem>>
      %dma_wait3A_399 = arith.constant 0 : i32
      %dma_wait3A_400 = tpu.memref_slice %arg5[%mul3A_395, %dma_wait3A_399] : memref<200x128xi32, #tpu.memory_space<vmem>> -> memref<1x128xi32, #tpu.memory_space<vmem>>
      %dma_wait3A_401 = tpu.memref_squeeze %dma_wait3A_400 : memref<1x128xi32, #tpu.memory_space<vmem>> -> memref<128xi32, #tpu.memory_space<vmem>>
      %dma_wait3A_402 = arith.constant 0 : i32
      %dma_wait3A_403 = arith.constant 0 : i32
      %dma_wait3A_404 = tpu.memref_slice %arg2[%dma_wait3A_402, %dma_wait3A_403] : memref<1000000x128xf32, #tpu.memory_space<hbm>> -> memref<1000000x128xf32, #tpu.memory_space<hbm>>
      tpu.wait_indirect_dma semaphore(%arg10 : memref<!tpu.dma_semaphore, #tpu.memory_space<semaphore_mem>>) src(%dma_wait3A_404 : memref<1000000x128xf32, #tpu.memory_space<hbm>>) dst(%dma_wait3A_398 : memref<128x128xf32, #tpu.memory_space<vmem>>)
      %mul3A_405 = arith.constant 2 : i32
      %mul3A_406 = arith.muli %mul3A_405, %sub3A_393 : i32
      %add3A_407 = arith.constant 1 : i32
      %add3A_408 = arith.addi %mul3A_406, %add3A_407 : i32
      %dma_wait3A_409 = arith.constant 128 : i32
      %dma_wait3A_410 = arith.constant 0 : i32
      %dma_wait3A_411 = tpu.memref_slice %arg7[%dma_wait3A_409, %dma_wait3A_410] : memref<256x128xf32, #tpu.memory_space<vmem>> -> memref<128x128xf32, #tpu.memory_space<vmem>>
      %dma_wait3A_412 = arith.constant 0 : i32
      %dma_wait3A_413 = tpu.memref_slice %arg5[%add3A_408, %dma_wait3A_412] : memref<200x128xi32, #tpu.memory_space<vmem>> -> memref<1x128xi32, #tpu.memory_space<vmem>>
      %dma_wait3A_414 = tpu.memref_squeeze %dma_wait3A_413 : memref<1x128xi32, #tpu.memory_space<vmem>> -> memref<128xi32, #tpu.memory_space<vmem>>
      %dma_wait3A_415 = arith.constant 0 : i32
      %dma_wait3A_416 = arith.constant 0 : i32
      %dma_wait3A_417 = tpu.memref_slice %arg2[%dma_wait3A_415, %dma_wait3A_416] : memref<1000000x128xf32, #tpu.memory_space<hbm>> -> memref<1000000x128xf32, #tpu.memory_space<hbm>>
      tpu.wait_indirect_dma semaphore(%arg10 : memref<!tpu.dma_semaphore, #tpu.memory_space<semaphore_mem>>) src(%dma_wait3A_417 : memref<1000000x128xf32, #tpu.memory_space<hbm>>) dst(%dma_wait3A_411 : memref<128x128xf32, #tpu.memory_space<vmem>>)
      %sub3A_418 = arith.constant 1 : i32
      %sub3A_419 = arith.subi %add3A_358, %sub3A_418 : i32
      %mul3A_420 = arith.constant 256 : i32
      %mul3A_421 = arith.muli %sub3A_419, %mul3A_420 : i32
      %add3A_422 = arith.addi %mul3A_2, %mul3A_421 : i32
      %dma_start3A_423 = arith.constant 0 : i32
      %dma_start3A_424 = tpu.memref_slice %arg4[%add3A_422, %dma_start3A_423] : memref<819200x128xf32, #tpu.memory_space<hbm>> -> memref<256x128xf32, #tpu.memory_space<hbm>>
      %dma_start3A_425 = arith.constant 0 : i32
      %dma_start3A_426 = tpu.memref_slice %arg4[%add3A_422, %dma_start3A_425] : memref<819200x128xf32, #tpu.memory_space<hbm>> -> memref<256x128xf32, #tpu.memory_space<hbm>>
      tpu.enqueue_dma source(%arg7 : memref<256x128xf32, #tpu.memory_space<vmem>>) target(%dma_start3A_426 : memref<256x128xf32, #tpu.memory_space<hbm>>) target_semaphore(%arg13 : memref<!tpu.dma_semaphore, #tpu.memory_space<semaphore_mem>>)
    }
    %scan3A_116 = arith.constant 32 : i32
    %add3A_117 = arith.constant 24576 : i32
    %add3A_118 = arith.addi %mul3A_2, %add3A_117 : i32
    %dma_wait3A_119 = arith.constant 0 : i32
    %dma_wait3A_120 = tpu.memref_slice %arg4[%add3A_118, %dma_wait3A_119] : memref<819200x128xf32, #tpu.memory_space<hbm>> -> memref<256x128xf32, #tpu.memory_space<hbm>>
    %dma_wait3A_121 = arith.constant 0 : i32
    %dma_wait3A_122 = tpu.memref_slice %arg4[%add3A_118, %dma_wait3A_121] : memref<819200x128xf32, #tpu.memory_space<hbm>> -> memref<256x128xf32, #tpu.memory_space<hbm>>
    tpu.wait_dma2 semaphore(%arg12 : memref<!tpu.dma_semaphore, #tpu.memory_space<semaphore_mem>>) src(%arg6 : memref<256x128xf32, #tpu.memory_space<vmem>>) dst(%dma_wait3A_122 : memref<256x128xf32, #tpu.memory_space<hbm>>)
    %dma_start3A_123 = arith.constant 198 : i32
    %dma_start3A_124 = arith.constant 0 : i32
    %dma_start3A_125 = arith.constant 0 : i32
    %dma_start3A_126 = tpu.memref_slice %arg6[%dma_start3A_124, %dma_start3A_125] : memref<256x128xf32, #tpu.memory_space<vmem>> -> memref<128x128xf32, #tpu.memory_space<vmem>>
    %dma_start3A_127 = arith.constant 0 : i32
    %dma_start3A_128 = tpu.memref_slice %arg5[%dma_start3A_123, %dma_start3A_127] : memref<200x128xi32, #tpu.memory_space<vmem>> -> memref<1x128xi32, #tpu.memory_space<vmem>>
    %dma_start3A_129 = tpu.memref_squeeze %dma_start3A_128 : memref<1x128xi32, #tpu.memory_space<vmem>> -> memref<128xi32, #tpu.memory_space<vmem>>
    %dma_start3A_130 = arith.constant 0 : i32
    %dma_start3A_131 = arith.constant 0 : i32
    %dma_start3A_132 = tpu.memref_slice %arg2[%dma_start3A_130, %dma_start3A_131] : memref<1000000x128xf32, #tpu.memory_space<hbm>> -> memref<1000000x128xf32, #tpu.memory_space<hbm>>
    tpu.enqueue_indirect_dma source(%dma_start3A_132 : memref<1000000x128xf32, #tpu.memory_space<hbm>>) target(%dma_start3A_126 : memref<128x128xf32, #tpu.memory_space<vmem>>) offsets(%dma_start3A_129 : memref<128xi32, #tpu.memory_space<vmem>>) semaphore(%arg9 : memref<!tpu.dma_semaphore, #tpu.memory_space<semaphore_mem>>)
    %dma_start3A_133 = arith.constant 199 : i32
    %dma_start3A_134 = arith.constant 128 : i32
    %dma_start3A_135 = arith.constant 0 : i32
    %dma_start3A_136 = tpu.memref_slice %arg6[%dma_start3A_134, %dma_start3A_135] : memref<256x128xf32, #tpu.memory_space<vmem>> -> memref<128x128xf32, #tpu.memory_space<vmem>>
    %dma_start3A_137 = arith.constant 0 : i32
    %dma_start3A_138 = tpu.memref_slice %arg5[%dma_start3A_133, %dma_start3A_137] : memref<200x128xi32, #tpu.memory_space<vmem>> -> memref<1x128xi32, #tpu.memory_space<vmem>>
    %dma_start3A_139 = tpu.memref_squeeze %dma_start3A_138 : memref<1x128xi32, #tpu.memory_space<vmem>> -> memref<128xi32, #tpu.memory_space<vmem>>
    %dma_start3A_140 = arith.constant 0 : i32
    %dma_start3A_141 = arith.constant 0 : i32
    %dma_start3A_142 = tpu.memref_slice %arg2[%dma_start3A_140, %dma_start3A_141] : memref<1000000x128xf32, #tpu.memory_space<hbm>> -> memref<1000000x128xf32, #tpu.memory_space<hbm>>
    tpu.enqueue_indirect_dma source(%dma_start3A_142 : memref<1000000x128xf32, #tpu.memory_space<hbm>>) target(%dma_start3A_136 : memref<128x128xf32, #tpu.memory_space<vmem>>) offsets(%dma_start3A_139 : memref<128xi32, #tpu.memory_space<vmem>>) semaphore(%arg9 : memref<!tpu.dma_semaphore, #tpu.memory_space<semaphore_mem>>)
    %dma_wait3A_143 = arith.constant 196 : i32
    %dma_wait3A_144 = arith.constant 0 : i32
    %dma_wait3A_145 = arith.constant 0 : i32
    %dma_wait3A_146 = tpu.memref_slice %arg8[%dma_wait3A_144, %dma_wait3A_145] : memref<256x128xf32, #tpu.memory_space<vmem>> -> memref<128x128xf32, #tpu.memory_space<vmem>>
    %dma_wait3A_147 = arith.constant 0 : i32
    %dma_wait3A_148 = tpu.memref_slice %arg5[%dma_wait3A_143, %dma_wait3A_147] : memref<200x128xi32, #tpu.memory_space<vmem>> -> memref<1x128xi32, #tpu.memory_space<vmem>>
    %dma_wait3A_149 = tpu.memref_squeeze %dma_wait3A_148 : memref<1x128xi32, #tpu.memory_space<vmem>> -> memref<128xi32, #tpu.memory_space<vmem>>
    %dma_wait3A_150 = arith.constant 0 : i32
    %dma_wait3A_151 = arith.constant 0 : i32
    %dma_wait3A_152 = tpu.memref_slice %arg2[%dma_wait3A_150, %dma_wait3A_151] : memref<1000000x128xf32, #tpu.memory_space<hbm>> -> memref<1000000x128xf32, #tpu.memory_space<hbm>>
    tpu.wait_indirect_dma semaphore(%arg11 : memref<!tpu.dma_semaphore, #tpu.memory_space<semaphore_mem>>) src(%dma_wait3A_152 : memref<1000000x128xf32, #tpu.memory_space<hbm>>) dst(%dma_wait3A_146 : memref<128x128xf32, #tpu.memory_space<vmem>>)
    %dma_wait3A_153 = arith.constant 197 : i32
    %dma_wait3A_154 = arith.constant 128 : i32
    %dma_wait3A_155 = arith.constant 0 : i32
    %dma_wait3A_156 = tpu.memref_slice %arg8[%dma_wait3A_154, %dma_wait3A_155] : memref<256x128xf32, #tpu.memory_space<vmem>> -> memref<128x128xf32, #tpu.memory_space<vmem>>
    %dma_wait3A_157 = arith.constant 0 : i32
    %dma_wait3A_158 = tpu.memref_slice %arg5[%dma_wait3A_153, %dma_wait3A_157] : memref<200x128xi32, #tpu.memory_space<vmem>> -> memref<1x128xi32, #tpu.memory_space<vmem>>
    %dma_wait3A_159 = tpu.memref_squeeze %dma_wait3A_158 : memref<1x128xi32, #tpu.memory_space<vmem>> -> memref<128xi32, #tpu.memory_space<vmem>>
    %dma_wait3A_160 = arith.constant 0 : i32
    %dma_wait3A_161 = arith.constant 0 : i32
    %dma_wait3A_162 = tpu.memref_slice %arg2[%dma_wait3A_160, %dma_wait3A_161] : memref<1000000x128xf32, #tpu.memory_space<hbm>> -> memref<1000000x128xf32, #tpu.memory_space<hbm>>
    tpu.wait_indirect_dma semaphore(%arg11 : memref<!tpu.dma_semaphore, #tpu.memory_space<semaphore_mem>>) src(%dma_wait3A_162 : memref<1000000x128xf32, #tpu.memory_space<hbm>>) dst(%dma_wait3A_156 : memref<128x128xf32, #tpu.memory_space<vmem>>)
    %add3A_163 = arith.constant 25088 : i32
    %add3A_164 = arith.addi %mul3A_2, %add3A_163 : i32
    %dma_start3A_165 = arith.constant 0 : i32
    %dma_start3A_166 = tpu.memref_slice %arg4[%add3A_164, %dma_start3A_165] : memref<819200x128xf32, #tpu.memory_space<hbm>> -> memref<256x128xf32, #tpu.memory_space<hbm>>
    %dma_start3A_167 = arith.constant 0 : i32
    %dma_start3A_168 = tpu.memref_slice %arg4[%add3A_164, %dma_start3A_167] : memref<819200x128xf32, #tpu.memory_space<hbm>> -> memref<256x128xf32, #tpu.memory_space<hbm>>
    tpu.enqueue_dma source(%arg8 : memref<256x128xf32, #tpu.memory_space<vmem>>) target(%dma_start3A_168 : memref<256x128xf32, #tpu.memory_space<hbm>>) target_semaphore(%arg14 : memref<!tpu.dma_semaphore, #tpu.memory_space<semaphore_mem>>)
    %dma_wait3A_169 = arith.constant 198 : i32
    %dma_wait3A_170 = arith.constant 0 : i32
    %dma_wait3A_171 = arith.constant 0 : i32
    %dma_wait3A_172 = tpu.memref_slice %arg6[%dma_wait3A_170, %dma_wait3A_171] : memref<256x128xf32, #tpu.memory_space<vmem>> -> memref<128x128xf32, #tpu.memory_space<vmem>>
    %dma_wait3A_173 = arith.constant 0 : i32
    %dma_wait3A_174 = tpu.memref_slice %arg5[%dma_wait3A_169, %dma_wait3A_173] : memref<200x128xi32, #tpu.memory_space<vmem>> -> memref<1x128xi32, #tpu.memory_space<vmem>>
    %dma_wait3A_175 = tpu.memref_squeeze %dma_wait3A_174 : memref<1x128xi32, #tpu.memory_space<vmem>> -> memref<128xi32, #tpu.memory_space<vmem>>
    %dma_wait3A_176 = arith.constant 0 : i32
    %dma_wait3A_177 = arith.constant 0 : i32
    %dma_wait3A_178 = tpu.memref_slice %arg2[%dma_wait3A_176, %dma_wait3A_177] : memref<1000000x128xf32, #tpu.memory_space<hbm>> -> memref<1000000x128xf32, #tpu.memory_space<hbm>>
    tpu.wait_indirect_dma semaphore(%arg9 : memref<!tpu.dma_semaphore, #tpu.memory_space<semaphore_mem>>) src(%dma_wait3A_178 : memref<1000000x128xf32, #tpu.memory_space<hbm>>) dst(%dma_wait3A_172 : memref<128x128xf32, #tpu.memory_space<vmem>>)
    %dma_wait3A_179 = arith.constant 199 : i32
    %dma_wait3A_180 = arith.constant 128 : i32
    %dma_wait3A_181 = arith.constant 0 : i32
    %dma_wait3A_182 = tpu.memref_slice %arg6[%dma_wait3A_180, %dma_wait3A_181] : memref<256x128xf32, #tpu.memory_space<vmem>> -> memref<128x128xf32, #tpu.memory_space<vmem>>
    %dma_wait3A_183 = arith.constant 0 : i32
    %dma_wait3A_184 = tpu.memref_slice %arg5[%dma_wait3A_179, %dma_wait3A_183] : memref<200x128xi32, #tpu.memory_space<vmem>> -> memref<1x128xi32, #tpu.memory_space<vmem>>
    %dma_wait3A_185 = tpu.memref_squeeze %dma_wait3A_184 : memref<1x128xi32, #tpu.memory_space<vmem>> -> memref<128xi32, #tpu.memory_space<vmem>>
    %dma_wait3A_186 = arith.constant 0 : i32
    %dma_wait3A_187 = arith.constant 0 : i32
    %dma_wait3A_188 = tpu.memref_slice %arg2[%dma_wait3A_186, %dma_wait3A_187] : memref<1000000x128xf32, #tpu.memory_space<hbm>> -> memref<1000000x128xf32, #tpu.memory_space<hbm>>
    tpu.wait_indirect_dma semaphore(%arg9 : memref<!tpu.dma_semaphore, #tpu.memory_space<semaphore_mem>>) src(%dma_wait3A_188 : memref<1000000x128xf32, #tpu.memory_space<hbm>>) dst(%dma_wait3A_182 : memref<128x128xf32, #tpu.memory_space<vmem>>)
    %add3A_189 = arith.constant 25344 : i32
    %add3A_190 = arith.addi %mul3A_2, %add3A_189 : i32
    %dma_start3A_191 = arith.constant 0 : i32
    %dma_start3A_192 = tpu.memref_slice %arg4[%add3A_190, %dma_start3A_191] : memref<819200x128xf32, #tpu.memory_space<hbm>> -> memref<256x128xf32, #tpu.memory_space<hbm>>
    %dma_start3A_193 = arith.constant 0 : i32
    %dma_start3A_194 = tpu.memref_slice %arg4[%add3A_190, %dma_start3A_193] : memref<819200x128xf32, #tpu.memory_space<hbm>> -> memref<256x128xf32, #tpu.memory_space<hbm>>
    tpu.enqueue_dma source(%arg6 : memref<256x128xf32, #tpu.memory_space<vmem>>) target(%dma_start3A_194 : memref<256x128xf32, #tpu.memory_space<hbm>>) target_semaphore(%arg12 : memref<!tpu.dma_semaphore, #tpu.memory_space<semaphore_mem>>)
    %add3A_195 = arith.constant 24832 : i32
    %add3A_196 = arith.addi %mul3A_2, %add3A_195 : i32
    %dma_wait3A_197 = arith.constant 0 : i32
    %dma_wait3A_198 = tpu.memref_slice %arg4[%add3A_196, %dma_wait3A_197] : memref<819200x128xf32, #tpu.memory_space<hbm>> -> memref<256x128xf32, #tpu.memory_space<hbm>>
    %dma_wait3A_199 = arith.constant 0 : i32
    %dma_wait3A_200 = tpu.memref_slice %arg4[%add3A_196, %dma_wait3A_199] : memref<819200x128xf32, #tpu.memory_space<hbm>> -> memref<256x128xf32, #tpu.memory_space<hbm>>
    tpu.wait_dma2 semaphore(%arg13 : memref<!tpu.dma_semaphore, #tpu.memory_space<semaphore_mem>>) src(%arg7 : memref<256x128xf32, #tpu.memory_space<vmem>>) dst(%dma_wait3A_200 : memref<256x128xf32, #tpu.memory_space<hbm>>)
    %add3A_201 = arith.constant 25088 : i32
    %add3A_202 = arith.addi %mul3A_2, %add3A_201 : i32
    %dma_wait3A_203 = arith.constant 0 : i32
    %dma_wait3A_204 = tpu.memref_slice %arg4[%add3A_202, %dma_wait3A_203] : memref<819200x128xf32, #tpu.memory_space<hbm>> -> memref<256x128xf32, #tpu.memory_space<hbm>>
    %dma_wait3A_205 = arith.constant 0 : i32
    %dma_wait3A_206 = tpu.memref_slice %arg4[%add3A_202, %dma_wait3A_205] : memref<819200x128xf32, #tpu.memory_space<hbm>> -> memref<256x128xf32, #tpu.memory_space<hbm>>
    tpu.wait_dma2 semaphore(%arg14 : memref<!tpu.dma_semaphore, #tpu.memory_space<semaphore_mem>>) src(%arg8 : memref<256x128xf32, #tpu.memory_space<vmem>>) dst(%dma_wait3A_206 : memref<256x128xf32, #tpu.memory_space<hbm>>)
    %add3A_207 = arith.constant 25344 : i32
    %add3A_208 = arith.addi %mul3A_2, %add3A_207 : i32
    %dma_wait3A_209 = arith.constant 0 : i32
    %dma_wait3A_210 = tpu.memref_slice %arg4[%add3A_208, %dma_wait3A_209] : memref<819200x128xf32, #tpu.memory_space<hbm>> -> memref<256x128xf32, #tpu.memory_space<hbm>>
    %dma_wait3A_211 = arith.constant 0 : i32
    %dma_wait3A_212 = tpu.memref_slice %arg4[%add3A_208, %dma_wait3A_211] : memref<819200x128xf32, #tpu.memory_space<hbm>> -> memref<256x128xf32, #tpu.memory_space<hbm>>
    tpu.wait_dma2 semaphore(%arg12 : memref<!tpu.dma_semaphore, #tpu.memory_space<semaphore_mem>>) src(%arg6 : memref<256x128xf32, #tpu.memory_space<vmem>>) dst(%dma_wait3A_212 : memref<256x128xf32, #tpu.memory_space<hbm>>)
    return
  }
}

</mosaic_0001>

<sc_bundles>
// kernel: kernel.3.cloned.1.call-start
scs
__scs_entry_jumppad:
0x0: {  	(pc) =	sbr.rel $0x88, $3  }
0x1: {  	(tag) =	ssettag $0x0;
	lr =	simm.s32 $0x1  }
0x2: {  	[smem:$0x3F9F] =	sst lr;
	_ =	strace $0xD0000000  }
0x3: {  	_ = 	snop  }
0x4: {  	_ = 	snop  }
0x5: {  	_ = 	snop  }
0x6: {  	_ = 	snop  }
0x7: {  	_ = 	snop  }
__scs_overlays_trampoline_lowered:
0x8: {  	[smem:$0x3FAE] =	sst s0  }
0x9: {  	[smem:$0x3FAF] =	sst s1  }
0xa: {  	[smem:$0x3FB0] =	sst s2  }
0xb: {  	[smem:$0x3FB1] =	sst s3  }
0xc: {  	[smem:$0x3FB2] =	sst s4  }
0xd: {  	[smem:$0x3FB3] =	sst s5  }
0xe: {  	[smem:$0x3FB4] =	sst s6  }
0xf: {  	[smem:$0x3FB5] =	sst s7  }
0x10: {  	[smem:$0x3FB6] =	sst s8  }
0x11: {  	[smem:$0x3FB7] =	sst s9;
	s0 =	simm.s32 @!p0 $0x0  }
0x12: {  	s1 =	sld [smem:$0x3F9D];
	s0 =	simm.s32 @p0 $0x1  }
0x13: {  	[smem:$0x3FB8] =	sst s0;
	s0 =	simm.s32 @!p1 $0x0  }
0x14: {  	s2 =	sld [smem:$0x3F9C];
	s0 =	simm.s32 @p1 $0x1  }
0x15: {  	[smem:$0x3FB9] =	sst s0;
	s0 =	simm.s32 @!p2 $0x0  }
0x16: {  	s3 =	sld [smem:$0x3FDB];
	s0 =	simm.s32 @p2 $0x1  }
0x17: {  	s4 =	simm.s32 $0x1BF5;
	[smem:$0x3FBB] =	sst s0  }
0x18: {  	s0 =	sld [smem:$0x3F9E];
	_ =	swait.ge [sflag:s4], $0x0  }
0x19: {  	s7 =	sld [smem:$0x3F9F]  }
0x1a: {  	s8 =	sadd.s32 $0xFFFFE003, lr  }
0x1b: {  	s9 =	sadd.s32 $0xFFFFFEF7, lr;
	s5 =	simm.s32 $0xFFFFFFFF;
	p2 =	slt.u32 s8, $0xFFFFF086  }
0x1c: {  	p1 =	slt.u32 s9, $0xF7A;
	s5 =	simm.s32 @!p2 $0x0  }
0x1d: {  	s5 =	simm.s32 @p1 $0x1;
	p0 =	seq.s32 s7, s2  }
0x1e: {  	s7 =	smul.u32 @!p0 $0xF7A, s2;
	p2 =	seq.s32 @!p0 s5, $0x0  }
0x1f: {  	s9 =	smul.u32 $0xF7A, s1;
	s8 =	simm.s32 @!p0 $0x1BF5;
	p2 =	por !p2, p0  }
0x20: {  	[sflag:s8] =	ssyncset.s32 @!p0 $0xFFFFF086;
	s6 =	sadd.s32 @!p0 s3, s7;
	s7 =	simm.s32 @!p0 $0x108  }
0x21: {  	s3 =	sadd.s32 s3, s9;
	s6 =	sadd.s32 @!p0 $0x88, s6;
	s7 =	simm.s32 @p2 $0x1082  }
0x22: {  	[simem:s7], [sflag:s8] =	dma.local @!p0 [hbm:s6], $0xF7A  }
0x23: {  	s9 =	sor.u32 $0xD0000000, s2;
	s6 =	simm.s32 $0x108;
	_ =	swait.ge @!p0 [sflag:s8], $0x0  }
0x24: {  	s3 =	sadd.s32 $0x88, s3;
	s6 =	simm.s32 @!p1 $0x1082;
	[sflag:s4] =	ssyncset.s32 $0xFFFFF086  }
0x25: {  	[simem:s6], [sflag:s4] =	dma.local [hbm:s3], $0xF7A  }
0x26: {  	[smem:$0x3F9F] =	sst s1;
	(tag) =	ssettag s2;
	_ =	strace s9  }
0x27: {  	s1 =	sld [smem:$0x3FAF]  }
0x28: {  	s2 =	sld [smem:$0x3FB0]  }
0x29: {  	s4 =	sld [smem:$0x3FB2]  }
0x2a: {  	p0 =	seq.s32 s5, $0x0;
	s5 =	sld [smem:$0x3FB3]  }
0x2b: {  	s6 =	sld [smem:$0x3FB4]  }
0x2c: {  	s7 =	sld [smem:$0x3FB5]  }
0x2d: {  	s3 =	simm.s32 $0x108;
	s8 =	sld [smem:$0x3FB6]  }
0x2e: {  	s3 =	simm.s32 @!p0 $0x1082;
	s9 =	sld [smem:$0x3FB7]  }
0x2f: {  	lr =	sadd.s32 s0, s3;
	s0 =	sld [smem:$0x3FAE]  }
0x30: {  	s3 =	sld [smem:$0x3FB1]  }
0x31: {  	[smem:$0x3FBA] =	sst s10  }
0x32: {  	s10 =	sld [smem:$0x3FB8];
	_ =	sdelay $0x3  }
0x33: {  	p0 =	seq.s32 s10, $0x1;
	s10 =	sld [smem:$0x3FBA];
	_ =	sdelay $0x3  }
0x34: {  	[smem:$0x3FBA] =	sst s10  }
0x35: {  	s10 =	sld [smem:$0x3FB9];
	_ =	sdelay $0x3  }
0x36: {  	p1 =	seq.s32 s10, $0x1;
	s10 =	sld [smem:$0x3FBA];
	_ =	sdelay $0x3  }
0x37: {  	[smem:$0x3FBA] =	sst s10  }
0x38: {  	s10 =	sld [smem:$0x3FBB]  }
0x39: {  	_ = 	snop;
	(pc) =	sbr.ind lr, $3  }
0x3a: {  	_ = 	snop  }
0x3b: {  	_ = 	snop  }
0x3c: {  	p2 =	seq.s32 s10, $0x1;
	s10 =	sld [smem:$0x3FBA]  }
0x3d: {  	_ =	shalt  }
0x3e: {  	_ =	shalt  }
0x3f: {  	_ =	shalt  }
0x40: {  	_ =	shalt  }
0x41: {  	_ =	shalt  }
0x42: {  	_ =	shalt  }
0x43: {  	_ =	shalt  }
0x44: {  	_ =	shalt  }
0x45: {  	_ =	shalt  }
0x46: {  	_ =	shalt  }
0x47: {  	_ =	shalt  }
0x48: {  	_ =	shalt  }
0x49: {  	_ =	shalt  }
0x4a: {  	_ =	shalt  }
0x4b: {  	_ =	shalt  }
0x4c: {  	_ =	shalt  }
0x4d: {  	_ =	shalt  }
0x4e: {  	_ =	shalt  }
0x4f: {  	_ =	shalt  }
0x50: {  	_ =	shalt  }
0x51: {  	_ =	shalt  }
0x52: {  	_ =	shalt  }
0x53: {  	_ =	shalt  }
0x54: {  	_ =	shalt  }
0x55: {  	_ =	shalt  }
0x56: {  	_ =	shalt  }
0x57: {  	_ =	shalt  }
0x58: {  	_ =	shalt  }
0x59: {  	_ =	shalt  }
0x5a: {  	_ =	shalt  }
0x5b: {  	_ =	shalt  }
0x5c: {  	_ =	shalt  }
0x5d: {  	_ =	shalt  }
0x5e: {  	_ =	shalt  }
0x5f: {  	_ =	shalt  }
0x60: {  	_ =	shalt  }
0x61: {  	_ =	shalt  }
0x62: {  	_ =	shalt  }
0x63: {  	_ =	shalt  }
0x64: {  	_ =	shalt  }
0x65: {  	_ =	shalt  }
0x66: {  	_ =	shalt  }
0x67: {  	_ =	shalt  }
0x68: {  	_ =	shalt  }
0x69: {  	_ =	shalt  }
0x6a: {  	_ =	shalt  }
0x6b: {  	_ =	shalt  }
0x6c: {  	_ =	shalt  }
0x6d: {  	_ =	shalt  }
0x6e: {  	_ =	shalt  }
0x6f: {  	_ =	shalt  }
0x70: {  	_ =	shalt  }
0x71: {  	_ =	shalt  }
0x72: {  	_ =	shalt  }
0x73: {  	_ =	shalt  }
0x74: {  	_ =	shalt  }
0x75: {  	_ =	shalt  }
0x76: {  	_ =	shalt  }
0x77: {  	_ =	shalt  }
0x78: {  	_ =	shalt  }
0x79: {  	_ =	shalt  }
0x7a: {  	_ =	shalt  }
0x7b: {  	_ =	shalt  }
0x7c: {  	_ =	shalt  }
0x7d: {  	_ =	shalt  }
0x7e: {  	_ =	shalt  }
0x7f: {  	_ =	shalt  }
0x80: {  	_ =	shalt  }
0x81: {  	_ =	shalt  }
0x82: {  	_ =	shalt  }
0x83: {  	_ =	shalt  }
0x84: {  	_ =	shalt  }
0x85: {  	_ =	shalt  }
0x86: {  	_ =	shalt  }
0x87: {  	_ =	shalt  }
.Lfunc_end0:
.L_simem_size_0:
called_computation_lowered:
.L_overlay_start_0:
0x88: {  	s2 =	sld [smem:$0x3FD9]  }
0x89: {  	s3 =	sld [smem:$0x3FFE];
	_ =	sdelay $0x1  }
0x8a: {  	s1 =	srdreg.scid  }
0x8b: {  	s0 =	sand.u32 $0x1, s1  }
0x8c: {  	s17 =	sshll.u32 s0, $0xA;
	s2 =	sadd.s32 s3, s2  }
0x8d: {  	s2 =	sadd.s32 s2, s17  }
0x8e: {  	[smem:$0x3FC6] =	sst s2  }
0x8f: {  	_ = 	snop  }
0x90: {  	s2 =	sld [smem:$0x3FC8]  }
0x91: {  	s18 =	sld [smem:$0x3FD0];
	(tm) =	ssettm $0x1  }
0x92: {  	s4 =	sld [smem:$0x3FFB];
	_ =	sdelay $0x3  }
0x93: {  	_ =	strace s4  }
0x94: {  	s4 =	sld [smem:$0x3FFC];
	_ =	sdelay $0x3  }
0x95: {  	_ =	strace s4  }
0x96: {  	s4 =	sld [smem:$0x3FFD];
	_ =	sdelay $0x3  }
0x97: {  	_ =	strace s4  }
0x98: {  	_ =	strace $0x8FFFFFFF  }
0x99: {  	s19 =	sld [smem:$0x3FDB];
	_ =	sdelay $0x1  }
0x9a: {  	s5 =	simm.s32 $_scs_section_size  }
0x9b: {  	s6 =	simm.s32 $_size__tile_overlayer_lowered;
	s7 =	simm.s32 $_tile_overlayer_lowered  }
0x9c: {  	s22 =	simm.s32 $0x1BFF;
	s21 =	sshll.u32 s7, $0x1;
	s4 =	sadd.s32 s5, s19  }
0x9d: {  	s8 =	simm.s32 $0x0;
	s20 =	sshll.u32 s6, $0x1;
	s6 =	sadd.s32 s21, s4  }
0x9e: {  	[timem:s8], [sflag:s22] =	dma.local [hbm:s6], s20  }
0x9f: {  	_ =	swait.ge [sflag:s22], s20  }
0xa0: {  	s5 =	ssub.s32 $0x0, s20;
	[sflag:s22] =	ssyncset.done $0x0  }
0xa1: {  	[sflag:s22] =	ssyncadd.s32 s5;
	_ =	sdelay $0x1  }
0xa2: {  	s23 =	simm.s32 $0x1B8B  }
0xa3: {  	_ =	swait.ge [sflag:s23], $0x1  }
0xa4: {  	[sflag:s23] =	ssyncset.done $0x0  }
0xa5: {  	s25 =	simm.s32 $0x1B8E;
	s24 =	sld [smem:$0x3FFE];
	[sflag:s23] =	ssyncadd.s32 $0xFFFFFFFF  }
0xa6: {  	s26 =	simm.s32 $execute0_lowered;
	[smem:$0x3FD2] =	sst s25  }
0xa7: {  	s6 =	sshll.u32 s26, $0x1;
	_ =	strace $0x80000046;
	[dreg:$0x1] =	wrdreg $0xFFFFFFFF  }
0xa8: {  	s28 =	simm.s32 $_size_execute0_lowered;
	s4 =	sadd.s32 s4, s6;
	[dreg:$0x0] =	wrdreg $0x0  }
0xa9: {  	s6 =	sshll.u32 s28, $0x1;
	[dreg:$0x2] =	wrdreg s4  }
0xaa: {  	[dreg:$0x3] =	wrdreg s6  }
0xab: {  	[dreg:$0x4] =	wrdreg $0xC0  }
0xac: {  	_ =	task [dreg:s8], $0x5FFFF  }
0xad: {  	[dreg:$0x1] =	wrdreg $0xFFFFFFFF  }
0xae: {  	[dreg:$0x0] =	wrdreg $0x60  }
0xaf: {  	[dreg:$0x2] =	wrdreg s2  }
0xb0: {  	[dreg:$0x3] =	wrdreg s24  }
0xb1: {  	[dreg:$0x4] =	wrdreg s18  }
0xb2: {  	[dreg:$0x5] =	wrdreg $0x9  }
0xb3: {  	_ =	task.clear_ibuf [dreg:s8], $0x6FFFF;
	_ =	strace $0x90000046  }
0xb4: {  	s29 =	simm.s32 $0x9;
	_ =	strace $0x80000048  }
0xb5: {  	_ =	swait.ge [sflag:s29], $0x1  }
0xb6: {  	[sflag:s29] =	ssyncadd.s32 $0xFFFFFFFF  }
0xb7: {  	_ =	strace $0x90000048  }
0xb8: {  	_ =	sfence  }
0xb9: {  	s30 =	sld [smem:$0x0];
	_ =	sdelay $0x2  }
0xba: {  	s31 =	sshll.u32 s1, $0xD;
	s1 =	sshrl.u32 s1, $0x2  }
0xbb: {  	s3 =	sand.u32 $0x4000, s31;
	s1 =	sadd.s32 s1, s30  }
0xbc: {  	s0 =	sor.u32 s3, s0;
	s1 =	sshll.u32 s1, $0x11  }
0xbd: {  	s0 =	sor.u32 s1, s0  }
0xbe: {  	s0 =	sadd.s32 $0x8F2B, s0  }
0xbf: {  	[sflag:s0] =	ssyncadd.remote.s32 $0x1  }
0xc0: {  	_ =	sfence.sel $0xFFFF  }
0xc1: {  	[dreg:$0x0] =	wrdreg $0xFFFFFFFF;
	(pc) =	sbr.abs _section_cstart, $3  }
0xc2: {  	[dreg:$0x1] =	wrdreg $0xFFFFFFFF  }
0xc3: {  	_ =	task.clear_ibuf [dreg:s8], $0x2FFFF;
	_ =	strace $0x9FFFFFFF  }
0xc4: {  	(tm) =	ssettm $0x7FFFFFFF  }
0xc5: {  	_ =	shalt  }
tec
execute0_lowered:
.L_overlay_start_1:
0x0: {  	(tag) =	ssettag $0x1  }
0x1: {  	s1 =	rddreg [dreg:$0x0];
	s0 =	srdreg.scid  }
0x2: {  	s13 =	stileid.u32;
	s2 =	rddreg [dreg:$0x1]  }
0x3: {  	s11 =	rddreg [dreg:$0x2];
	s14 =	simm.s32 $0x80;
	s15 =	simm.s32 $0x6400  }
0x4: {  	s16 =	simm.s32 $0xA400;
	s18 =	simm.s32 $0xE400;
	s20 =	simm.s32 $0x12400  }
0x5: {  	s28 =	simm.s32 $0x4;
	s29 =	simm.s32 $0x3;
	s10 =	smul.u32 $0x640000, s13  }
0x6: {  	s30 =	simm.s32 $0x5;
	s0 =	sand.u32 $0x1, s0;
	s24 =	smul.u32 $0xC8000, s13  }
0x7: {  	s31 =	simm.s32 $0x6;
	s3 =	sshll.u32 s13, $0x1;
	s12 =	smul.u32 $0x320000, s0  }
0x8: {  	s4 =	sor.u32 s0, s3;
	s6 =	ssub.s32 $0x2, s0;
	s0 =	smul.u32 $0x64000, s0  }
0x9: {  	s17 =	simm.s32 $0x0;
	s3 =	simm.s32 $0x0;
	s5 =	smul.u32 $0x6400, s4  }
0xa: {  	s13 =	simm.s32 $0x7;
	[smem:$0x7FF] =	sst s3;
	s7 =	smul.u32 $0x64000, s4  }
0xb: {  	s21 =	sshrl.u32 s6, $0x1;
	s8 =	smul.u32 $0x320000, s4;
	_ =	strace $0x80000047  }
0xc: {  	s9 =	ssub.s32 s6, s21;
	s10 =	sadd.s32 s12, s10;
	s21 =	simm.s32 $0x1  }
0xd: {  	s5 =	sshrl.u32 s5, $0x3;
	s22 =	sshrl.u32 s8, $0x3;
	s9 =	smax.u32 s9, $0x1  }
0xe: {  	s12 =	sadd.s32 $0x20000, s10;
	s10 =	sor.u32 $0x18000, s10;
	s2 =	sadd.s32 s5, s2  }
0xf: {  	s5 =	sadd.s32 s11, s7;
	s25 =	sshrl.u32 s12, $0x3;
	s26 =	sshrl.u32 s10, $0x3  }
0x10: {  	s2 =	sadd.s32 $0x400, s2;
	s23 =	sadd.s32 $0x1000, s5;
	s12 =	sadd.s32 s26, s11  }
0x11: {  	s26 =	simm.s32 $0x2;
	[dreg:$0x4] =	wrdreg s2;
	s2 =	sadd.s32 s11, s22  }
0x12: {  	s7 =	sadd.s32 $0x62000, s2;
	s8 =	sadd.s32 $0x63000, s2;
	s2 =	sadd.s32 s24, s11  }
0x13: {  	[dreg:$0x5] =	wrdreg s23;
	s23 =	simm.s32 $0x16400;
	s0 =	sadd.s32 s0, s2  }
0x14: {  	s10 =	sadd.s32 $0x2000, s0;
	s0 =	sadd.s32 s25, s11;
	s25 =	simm.s32 $0x1A400  }
.LBB2_1:
0x15: {  	s2 =	rddreg [dreg:$0x4]  }
0x16: {  	[tilespmem:s3], [sflag:$0x7] =	stream.linear.gather [hbm4b:s2+s3], $0x6400, $0x38;
	[tilespmem:$0x1E400] =	vst v63  }
0x17: {  	_ =	swait.ge [sflag:s13], $0x6400  }
0x18: {  	[sflag:s13] =	ssyncset.done $0x0  }
0x19: {  	[sflag:s13] =	ssyncadd.s32 $0xFFFF9C00  }
0x1a: {  	[tilespmem:s15], [sflag:$0x1] =	stream.indirect.gather [hbm4b:s1+s14], $0x80, s3, s14, $0xb8;
	[tilespmem:$0x1E400] =	vst v63  }
0x1b: {  	_ = 	snop  }
0x1c: {  	[tilespmem:s16], [sflag:$0x1] =	stream.indirect.gather [hbm4b:s1+s14], $0x80, s14, s14, $0xb8;
	[tilespmem:$0x1E400] =	vst v63  }
0x1d: {  	s6 =	simm.s32 $0x100  }
0x1e: {  	[tilespmem:s18], [sflag:$0x2] =	stream.indirect.gather [hbm4b:s1+s14], $0x80, s6, s14, $0xb8;
	[tilespmem:$0x1E400] =	vst v63  }
0x1f: {  	s11 =	simm.s32 $0x180  }
0x20: {  	[tilespmem:s20], [sflag:$0x2] =	stream.indirect.gather [hbm4b:s1+s14], $0x80, s11, s14, $0xb8;
	[tilespmem:$0x1E400] =	vst v63  }
0x21: {  	_ =	swait.ge [sflag:s21], $0x4000  }
0x22: {  	[sflag:s21] =	ssyncset.done $0x0  }
0x23: {  	[sflag:s21] =	ssyncadd.s32 $0xFFFFC000  }
0x24: {  	_ =	swait.ge [sflag:s21], $0x4000  }
0x25: {  	[sflag:s21] =	ssyncset.done $0x0  }
0x26: {  	[sflag:s21] =	ssyncadd.s32 $0xFFFFC000  }
0x27: {  	[hbm4b:s5+s3] =	stream.linear.scatter [tilespmem:s15], [sflag:$0x4], $0x8000, $0x38;
	[tilespmem:$0x1E400] =	vst v63  }
0x28: {  	s19 =	simm.s32 $0x200  }
0x29: {  	[tilespmem:s23], [sflag:$0x3] =	stream.indirect.gather [hbm4b:s1+s14], $0x80, s19, s14, $0xb8;
	[tilespmem:$0x1E400] =	vst v63  }
0x2a: {  	s22 =	simm.s32 $0x280  }
0x2b: {  	[tilespmem:s25], [sflag:$0x3] =	stream.indirect.gather [hbm4b:s1+s14], $0x80, s22, s14, $0xb8;
	[tilespmem:$0x1E400] =	vst v63  }
0x2c: {  	_ =	swait.ge [sflag:s26], $0x4000  }
0x2d: {  	[sflag:s26] =	ssyncset.done $0x0  }
0x2e: {  	[sflag:s26] =	ssyncadd.s32 $0xFFFFC000  }
0x2f: {  	_ =	swait.ge [sflag:s26], $0x4000  }
0x30: {  	[sflag:s26] =	ssyncset.done $0x0  }
0x31: {  	s24 =	rddreg [dreg:$0x5];
	[sflag:s26] =	ssyncadd.s32 $0xFFFFC000  }
0x32: {  	[hbm4b:s24+s3] =	stream.linear.scatter [tilespmem:s18], [sflag:$0x5], $0x8000, $0x38;
	[tilespmem:$0x1E400] =	vst v63  }
0x33: {  	_ =	swait.ge [sflag:s28], $0x8000  }
0x34: {  	[sflag:s28] =	ssyncset.done $0x0  }
0x35: {  	s4 =	simm.s32 $0x300;
	[sflag:s28] =	ssyncadd.s32 $0xFFFF8000  }
0x36: {  	[tilespmem:s15], [sflag:$0x1] =	stream.indirect.gather [hbm4b:s1+s14], $0x80, s4, s14, $0xb8;
	[tilespmem:$0x1E400] =	vst v63  }
0x37: {  	s6 =	simm.s32 $0x380  }
0x38: {  	[tilespmem:s16], [sflag:$0x1] =	stream.indirect.gather [hbm4b:s1+s14], $0x80, s6, s14, $0xb8;
	[tilespmem:$0x1E400] =	vst v63  }
0x39: {  	_ =	swait.ge [sflag:s29], $0x4000  }
0x3a: {  	[sflag:s29] =	ssyncset.done $0x0  }
0x3b: {  	[sflag:s29] =	ssyncadd.s32 $0xFFFFC000  }
0x3c: {  	_ =	swait.ge [sflag:s29], $0x4000  }
0x3d: {  	[sflag:s29] =	ssyncset.done $0x0  }
0x3e: {  	[sflag:s29] =	ssyncadd.s32 $0xFFFFC000  }
0x3f: {  	[hbm4b:s10+s3] =	stream.linear.scatter [tilespmem:s23], [sflag:$0x6], $0x8000, $0x38;
	[tilespmem:$0x1E400] =	vst v63  }
0x40: {  	_ =	swait.ge [sflag:s30], $0x8000  }
0x41: {  	[sflag:s30] =	ssyncset.done $0x0  }
0x42: {  	s11 =	simm.s32 $0x400;
	[sflag:s30] =	ssyncadd.s32 $0xFFFF8000  }
0x43: {  	[tilespmem:s18], [sflag:$0x2] =	stream.indirect.gather [hbm4b:s1+s14], $0x80, s11, s14, $0xb8;
	[tilespmem:$0x1E400] =	vst v63  }
0x44: {  	s19 =	simm.s32 $0x480  }
0x45: {  	[tilespmem:s20], [sflag:$0x2] =	stream.indirect.gather [hbm4b:s1+s14], $0x80, s19, s14, $0xb8;
	[tilespmem:$0x1E400] =	vst v63  }
0x46: {  	_ =	swait.ge [sflag:s21], $0x4000  }
0x47: {  	[sflag:s21] =	ssyncset.done $0x0  }
0x48: {  	[sflag:s21] =	ssyncadd.s32 $0xFFFFC000  }
0x49: {  	_ =	swait.ge [sflag:s21], $0x4000  }
0x4a: {  	[sflag:s21] =	ssyncset.done $0x0  }
0x4b: {  	[sflag:s21] =	ssyncadd.s32 $0xFFFFC000  }
0x4c: {  	[hbm4b:s12+s3] =	stream.linear.scatter [tilespmem:s15], [sflag:$0x4], $0x8000, $0x38;
	[tilespmem:$0x1E400] =	vst v63  }
0x4d: {  	_ =	swait.ge [sflag:s31], $0x8000  }
0x4e: {  	[sflag:s31] =	ssyncset.done $0x0  }
0x4f: {  	s22 =	simm.s32 $0x500;
	[sflag:s31] =	ssyncadd.s32 $0xFFFF8000  }
0x50: {  	[tilespmem:s23], [sflag:$0x3] =	stream.indirect.gather [hbm4b:s1+s14], $0x80, s22, s14, $0xb8;
	[tilespmem:$0x1E400] =	vst v63  }
0x51: {  	s24 =	simm.s32 $0x580  }
0x52: {  	[tilespmem:s25], [sflag:$0x3] =	stream.indirect.gather [hbm4b:s1+s14], $0x80, s24, s14, $0xb8;
	[tilespmem:$0x1E400] =	vst v63  }
0x53: {  	_ =	swait.ge [sflag:s26], $0x4000  }
0x54: {  	[sflag:s26] =	ssyncset.done $0x0  }
0x55: {  	[sflag:s26] =	ssyncadd.s32 $0xFFFFC000  }
0x56: {  	s2 =	sadd.s32 $0x3000, s0;
	_ =	swait.ge [sflag:s26], $0x4000  }
0x57: {  	s11 =	smov.u32 s0;
	s19 =	simm.s32 $0xC00;
	[sflag:s26] =	ssyncset.done $0x0  }
0x58: {  	s22 =	sadd.s32 $0x3000, s12;
	s24 =	sadd.s32 $0x3000, s10;
	[sflag:s26] =	ssyncadd.s32 $0xFFFFC000  }
.LBB2_2:
0x59: {  	[hbm4b:s11+s3] =	stream.linear.scatter [tilespmem:s18], [sflag:$0x5], $0x8000, $0x38;
	[tilespmem:$0x1E400] =	vst v63  }
0x5a: {  	s4 =	smov.u32 s19;
	s11 =	smov.u32 s2  }
0x5b: {  	p0 =	sne.s32 s19, $0x17400;
	s19 =	sadd.s32 $0xC00, s19;
	_ =	swait.ge [sflag:s28], $0x8000  }
0x5c: {  	s4 =	sshra.s32 s4, $0x2;
	[sflag:s28] =	ssyncset.done $0x0  }
0x5d: {  	s6 =	sadd.s32 $0x300, s4;
	[sflag:s28] =	ssyncadd.s32 $0xFFFF8000  }
0x5e: {  	[tilespmem:s15], [sflag:$0x1] =	stream.indirect.gather [hbm4b:s1+s14], $0x80, s6, s14, $0xb8;
	[tilespmem:$0x1E400] =	vst v63  }
0x5f: {  	s6 =	sadd.s32 $0x380, s4  }
0x60: {  	[tilespmem:s16], [sflag:$0x1] =	stream.indirect.gather [hbm4b:s1+s14], $0x80, s6, s14, $0xb8;
	[tilespmem:$0x1E400] =	vst v63  }
0x61: {  	_ =	swait.ge [sflag:s29], $0x4000  }
0x62: {  	[sflag:s29] =	ssyncset.done $0x0  }
0x63: {  	[sflag:s29] =	ssyncadd.s32 $0xFFFFC000  }
0x64: {  	_ =	swait.ge [sflag:s29], $0x4000  }
0x65: {  	[sflag:s29] =	ssyncset.done $0x0  }
0x66: {  	[sflag:s29] =	ssyncadd.s32 $0xFFFFC000  }
0x67: {  	[hbm4b:s24+s3] =	stream.linear.scatter [tilespmem:s23], [sflag:$0x6], $0x8000, $0x38;
	[tilespmem:$0x1E400] =	vst v63  }
0x68: {  	_ =	swait.ge [sflag:s30], $0x8000  }
0x69: {  	[sflag:s30] =	ssyncset.done $0x0  }
0x6a: {  	s6 =	sadd.s32 $0x400, s4;
	[sflag:s30] =	ssyncadd.s32 $0xFFFF8000  }
0x6b: {  	[tilespmem:s18], [sflag:$0x2] =	stream.indirect.gather [hbm4b:s1+s14], $0x80, s6, s14, $0xb8;
	[tilespmem:$0x1E400] =	vst v63  }
0x6c: {  	s6 =	sadd.s32 $0x480, s4  }
0x6d: {  	[tilespmem:s20], [sflag:$0x2] =	stream.indirect.gather [hbm4b:s1+s14], $0x80, s6, s14, $0xb8;
	[tilespmem:$0x1E400] =	vst v63  }
0x6e: {  	_ =	swait.ge [sflag:s21], $0x4000  }
0x6f: {  	[sflag:s21] =	ssyncset.done $0x0  }
0x70: {  	[sflag:s21] =	ssyncadd.s32 $0xFFFFC000  }
0x71: {  	_ =	swait.ge [sflag:s21], $0x4000  }
0x72: {  	[sflag:s21] =	ssyncset.done $0x0  }
0x73: {  	[sflag:s21] =	ssyncadd.s32 $0xFFFFC000  }
0x74: {  	[hbm4b:s22+s3] =	stream.linear.scatter [tilespmem:s15], [sflag:$0x4], $0x8000, $0x38;
	[tilespmem:$0x1E400] =	vst v63  }
0x75: {  	_ =	swait.ge [sflag:s31], $0x8000  }
0x76: {  	[sflag:s31] =	ssyncset.done $0x0  }
0x77: {  	s6 =	sadd.s32 $0x500, s4;
	[sflag:s31] =	ssyncadd.s32 $0xFFFF8000  }
0x78: {  	[tilespmem:s23], [sflag:$0x3] =	stream.indirect.gather [hbm4b:s1+s14], $0x80, s6, s14, $0xb8;
	[tilespmem:$0x1E400] =	vst v63  }
0x79: {  	s4 =	sadd.s32 $0x580, s4  }
0x7a: {  	[tilespmem:s25], [sflag:$0x3] =	stream.indirect.gather [hbm4b:s1+s14], $0x80, s4, s14, $0xb8;
	[tilespmem:$0x1E400] =	vst v63  }
0x7b: {  	_ =	swait.ge [sflag:s26], $0x4000  }
.Ltmp0:
0x7c: {  	[sflag:s26] =	ssyncset.done $0x0;
	(pc) =	sbr.rel @p0 .LBB2_2-.Ltmp0, $4  }
0x7d: {  	[sflag:s26] =	ssyncadd.s32 $0xFFFFC000  }
0x7e: {  	_ =	swait.ge [sflag:s26], $0x4000  }
0x7f: {  	s22 =	sadd.s32 $0x3000, s22;
	[sflag:s26] =	ssyncset.done $0x0  }
0x80: {  	s2 =	sadd.s32 $0x3000, s2;
	s24 =	sadd.s32 $0x3000, s24;
	[sflag:s26] =	ssyncadd.s32 $0xFFFFC000  }
0x81: {  	[hbm4b:s11+s3] =	stream.linear.scatter [tilespmem:s18], [sflag:$0x5], $0x8000, $0x38;
	[tilespmem:$0x1E400] =	vst v63  }
0x82: {  	_ =	swait.ge [sflag:s28], $0x8000  }
0x83: {  	[sflag:s28] =	ssyncset.done $0x0  }
0x84: {  	s2 =	simm.s32 $0x6300;
	[sflag:s28] =	ssyncadd.s32 $0xFFFF8000  }
0x85: {  	[tilespmem:s15], [sflag:$0x1] =	stream.indirect.gather [hbm4b:s1+s14], $0x80, s2, s14, $0xb8;
	[tilespmem:$0x1E400] =	vst v63  }
0x86: {  	s24 =	simm.s32 $0x6380  }
0x87: {  	[tilespmem:s16], [sflag:$0x1] =	stream.indirect.gather [hbm4b:s1+s14], $0x80, s24, s14, $0xb8;
	[tilespmem:$0x1E400] =	vst v63  }
0x88: {  	_ =	swait.ge [sflag:s29], $0x4000  }
0x89: {  	[sflag:s29] =	ssyncset.done $0x0  }
0x8a: {  	[sflag:s29] =	ssyncadd.s32 $0xFFFFC000  }
0x8b: {  	_ =	swait.ge [sflag:s29], $0x4000  }
0x8c: {  	[sflag:s29] =	ssyncset.done $0x0  }
0x8d: {  	[sflag:s29] =	ssyncadd.s32 $0xFFFFC000  }
0x8e: {  	[hbm4b:s7+s3] =	stream.linear.scatter [tilespmem:s23], [sflag:$0x6], $0x8000, $0x38;
	[tilespmem:$0x1E400] =	vst v63  }
0x8f: {  	_ =	swait.ge [sflag:s21], $0x4000  }
0x90: {  	[sflag:s21] =	ssyncset.done $0x0  }
0x91: {  	[sflag:s21] =	ssyncadd.s32 $0xFFFFC000  }
0x92: {  	_ =	swait.ge [sflag:s21], $0x4000  }
0x93: {  	[sflag:s21] =	ssyncset.done $0x0  }
0x94: {  	[sflag:s21] =	ssyncadd.s32 $0xFFFFC000  }
0x95: {  	[hbm4b:s8+s3] =	stream.linear.scatter [tilespmem:s15], [sflag:$0x4], $0x8000, $0x38;
	[tilespmem:$0x1E400] =	vst v63  }
0x96: {  	_ =	swait.ge [sflag:s30], $0x8000  }
0x97: {  	[sflag:s30] =	ssyncset.done $0x0  }
0x98: {  	s17 =	sadd.s32 $0x1, s17;
	[sflag:s30] =	ssyncadd.s32 $0xFFFF8000  }
0x99: {  	p0 =	sne.s32 s17, s9;
	_ =	swait.ge [sflag:s31], $0x8000  }
.Ltmp1:
0x9a: {  	[sflag:s31] =	ssyncset.done $0x0;
	(pc) =	sbr.rel @p0 .LBB2_1-.Ltmp1, $4  }
0x9b: {  	[sflag:s31] =	ssyncadd.s32 $0xFFFF8000  }
0x9c: {  	_ =	swait.ge [sflag:s28], $0x8000  }
0x9d: {  	[sflag:s28] =	ssyncset.done $0x0  }
0x9e: {  	[sflag:s28] =	ssyncadd.s32 $0xFFFF8000  }
0x9f: {  	_ =	sfence.sel $0x180000  }
0xa0: {  	[bflag:$0x0] =	sbarrier.arrive $0xFFFF  }
0xa1: {  	_ =	strace $0x90000047  }
0xa2: {  	s0 =	stileid.u32;
	[bflag:$0x2] =	sbarrier.arrive $0xFFFF  }
0xa3: {  	p0 =	sne.s32 s0, $0x0;
	s0 =	rddreg [dreg:$0x3]  }
0xa4: {  	s0 =	sadd.s32 @!p0 $0x100000, s0  }
0xa5: {  	[sflag:s0] =	ssyncadd.tile.s32 @!p0 $0x1;
	_ =	shalt  }
.Lfunc_end2:
_tile_overlayer_lowered:
.L_overlay_start_2:
0xa6: {  	(tag) =	ssettag $0x2  }
0xa7: {  	s0 =	rddreg [dreg:$0x0];
	s2 =	stileid.u32  }
0xa8: {  	s1 =	rddreg [dreg:$0x1];
	p0 =	sne.s32 s2, $0x0  }
0xa9: {  	s3 =	rddreg [dreg:$0x2];
	[bflag:$0x3] =	sbarrier.arrive $0xFFFF;
	s2 =	simm.s32 @!p0 $0x1C07  }
0xaa: {  	[timem:s3], [sflag:s2] =	dma.local @!p0 [hbm:s0], s1  }
0xab: {  	s0 =	simm.s32 @!p0 $0x7  }
0xac: {  	_ =	swait.ge @!p0 [sflag:s0], s1  }
0xad: {  	s1 =	ssub.s32 @!p0 $0x0, s1;
	[sflag:s0] =	ssyncset.done @!p0 $0x0  }
0xae: {  	[sflag:s0] =	ssyncadd.s32 @!p0 s1  }
0xaf: {  	[bflag:$0x3] =	sbarrier.arrive $0xFFFF  }
0xb0: {  	_ =	shalt  }

</sc_bundles>
